<compile_context>
chip_gen: v7x
topology: tpu7x:2x2x1
jax: 0.10.2.dev20260603
libtpu: 0.0.44.dev20260713+nightly
codegen_flags: <defaults>
</compile_context>

<pallas_src>
import jax
import jax.numpy as jnp
from jax import lax
from jax.experimental import pallas as pl
from jax.experimental.pallas import tpu as pltpu
from jax.experimental.pallas import tpu_sc as plsc

N = 10000
E = 160000
IN_F = 256
HID_F = 512
OUT_F = 256
HALF = 128
NC = 2
NS = 16
K = 128
CH = 80
CHH = 40
EPT = CH * K
EP = NS * EPT
NPAD = 10112
ACC_PT = NPAD // NS
OUT_PT = 624
BM = 1000

_MESH = plsc.VectorSubcoreMesh(core_axis_name="c", subcore_axis_name="s")


def _agg_body(feat, srcs, dsts, zeros, msg,
              src_v, dst_v, rows_a, rows_b, acc, ga, gb, sa, sb):
  c = lax.axis_index("c")
  s = lax.axis_index("s")

  pltpu.sync_copy(zeros, acc.at[pl.ds(s * ACC_PT, ACC_PT)])
  plsc.subcore_barrier()

  def gather(j, buf, sem):
    pltpu.async_copy(feat.at[src_v.at[j]], buf, sem)

  def wait_gather(j, buf, sem):
    pltpu.make_async_copy(feat.at[src_v.at[j]], buf, sem).wait()

  def scatter(j, buf, sem):
    pltpu.async_copy(buf, acc.at[dst_v.at[j]], sem, add=True)

  def wait_scatter(j, buf, sem):
    pltpu.make_async_copy(buf, acc.at[dst_v.at[j]], sem).wait()

  for st in range(CH // CHH):
    pltpu.sync_copy(srcs.at[c, s, pl.ds(st * CHH, CHH)], src_v)
    pltpu.sync_copy(dsts.at[s, pl.ds(st * CHH, CHH)], dst_v)
    gather(0, rows_a, ga)

    def pair(i, carry):
      j0 = 2 * i
      j1 = 2 * i + 1
      wait_gather(j0, rows_a, ga)
      scatter(j0, rows_a, sa)

      @pl.when(i > 0)
      def _():
        wait_scatter(j1 - 2, rows_b, sb)

      gather(j1, rows_b, gb)
      wait_gather(j1, rows_b, gb)
      scatter(j1, rows_b, sb)
      wait_scatter(j0, rows_a, sa)

      @pl.when(i < CHH // 2 - 1)
      def _():
        gather(j0 + 2, rows_a, ga)

      return carry

    lax.fori_loop(0, CHH // 2, pair, 0)
    wait_scatter(CHH - 1, rows_b, sb)

  plsc.subcore_barrier()

  pltpu.sync_copy(acc.at[pl.ds(s * OUT_PT, OUT_PT)],
                  msg.at[c, pl.ds(s * OUT_PT, OUT_PT)])

  @pl.when(s == NS - 1)
  def _():
    pltpu.sync_copy(acc.at[pl.ds(NS * OUT_PT, N - NS * OUT_PT)],
                    msg.at[c, pl.ds(NS * OUT_PT, N - NS * OUT_PT)])


_agg = pl.kernel(
    _agg_body,
    out_type=jax.ShapeDtypeStruct((NC, N, HALF), jnp.float32),
    mesh=_MESH,
    scratch_types=[
        pltpu.VMEM((CHH, K), jnp.int32),
        pltpu.VMEM((CHH, K), jnp.int32),
        pltpu.VMEM((K, HALF), jnp.float32),
        pltpu.VMEM((K, HALF), jnp.float32),
        pltpu.VMEM_SHARED((NPAD, HALF), jnp.float32),
        pltpu.SemaphoreType.DMA,
        pltpu.SemaphoreType.DMA,
        pltpu.SemaphoreType.DMA,
        pltpu.SemaphoreType.DMA,
    ],
)


def _deg_body(dsts, zeros, ones, degw, dst_v, ones_v, dacc):
  c = lax.axis_index("c")
  s = lax.axis_index("s")

  pltpu.sync_copy(dsts.at[s], dst_v)
  pltpu.sync_copy(ones, ones_v)
  pltpu.sync_copy(zeros, dacc.at[pl.ds(s * ACC_PT, ACC_PT)])
  plsc.subcore_barrier()

  def chunk(j, carry):
    pltpu.sync_copy(ones_v, dacc.at[dst_v.at[j]], add=True)
    return carry

  lax.fori_loop(c * (CH // 2), (c + 1) * (CH // 2), chunk, 0)
  plsc.subcore_barrier()

  pltpu.sync_copy(dacc.at[pl.ds(s * OUT_PT, OUT_PT)],
                  degw.at[c, pl.ds(s * OUT_PT, OUT_PT)])

  @pl.when(s == NS - 1)
  def _():
    pltpu.sync_copy(dacc.at[pl.ds(NS * OUT_PT, N - NS * OUT_PT)],
                    degw.at[c, pl.ds(NS * OUT_PT, N - NS * OUT_PT)])


_deg = pl.kernel(
    _deg_body,
    out_type=jax.ShapeDtypeStruct((NC, N, HALF), jnp.float32),
    mesh=_MESH,
    scratch_types=[
        pltpu.VMEM((CH, K), jnp.int32),
        pltpu.VMEM((K, HALF), jnp.float32),
        pltpu.VMEM_SHARED((NPAD, HALF), jnp.float32),
    ],
)


def _relayout_body(x_ref, o_ref):
  o_ref[0] = x_ref[:, :HALF]
  o_ref[1] = x_ref[:, HALF:]


_relayout = pl.pallas_call(
    _relayout_body,
    grid=(N // BM,),
    in_specs=[pl.BlockSpec((BM, IN_F), lambda i: (i, 0))],
    out_specs=pl.BlockSpec((NC, BM, HALF), lambda i: (0, i, 0)),
    out_shape=jax.ShapeDtypeStruct((NC, N, HALF), jnp.float32),
)


def _layer1_body(msg_ref, h_ref, degw_ref, w1_ref, b1_ref, w2_ref, g_ref):
  m = jnp.concatenate([msg_ref[0], msg_ref[1]], axis=1)
  inv = 1.0 / (degw_ref[0, :, 0:1] + degw_ref[1, :, 0:1] + 1.0)
  hn = (m + h_ref[...]) * inv
  h1 = jnp.dot(hn, w1_ref[...], preferred_element_type=jnp.float32,
               precision=lax.Precision.HIGHEST) + b1_ref[...]
  h1 = jnp.maximum(h1, 0.0)
  g = jnp.dot(h1, w2_ref[...], preferred_element_type=jnp.float32,
              precision=lax.Precision.HIGHEST)
  g_ref[0] = g[:, :HALF]
  g_ref[1] = g[:, HALF:]


_layer1 = pl.pallas_call(
    _layer1_body,
    grid=(N // BM,),
    in_specs=[
        pl.BlockSpec((NC, BM, HALF), lambda i: (0, i, 0)),
        pl.BlockSpec((BM, IN_F), lambda i: (i, 0)),
        pl.BlockSpec((NC, BM, HALF), lambda i: (0, i, 0)),
        pl.BlockSpec((IN_F, HID_F), lambda i: (0, 0)),
        pl.BlockSpec((1, HID_F), lambda i: (0, 0)),
        pl.BlockSpec((HID_F, OUT_F), lambda i: (0, 0)),
    ],
    out_specs=pl.BlockSpec((NC, BM, HALF), lambda i: (0, i, 0)),
    out_shape=jax.ShapeDtypeStruct((NC, N, HALF), jnp.float32),
)


def _layer2_body(msg_ref, g_ref, degw_ref, b2_ref, o_ref):
  m = jnp.concatenate([msg_ref[0], msg_ref[1]], axis=1)
  g = jnp.concatenate([g_ref[0], g_ref[1]], axis=1)
  inv = 1.0 / (degw_ref[0, :, 0:1] + degw_ref[1, :, 0:1] + 1.0)
  o_ref[...] = (m + g) * inv + b2_ref[...]


_layer2 = pl.pallas_call(
    _layer2_body,
    grid=(N // BM,),
    in_specs=[
        pl.BlockSpec((NC, BM, HALF), lambda i: (0, i, 0)),
        pl.BlockSpec((NC, BM, HALF), lambda i: (0, i, 0)),
        pl.BlockSpec((NC, BM, HALF), lambda i: (0, i, 0)),
        pl.BlockSpec((1, OUT_F), lambda i: (0, 0)),
    ],
    out_specs=pl.BlockSpec((BM, OUT_F), lambda i: (i, 0)),
    out_shape=jax.ShapeDtypeStruct((N, OUT_F), jnp.float32),
)


def kernel(node_feat, edge_index, W1, b1, W2, b2):
  src = edge_index[0]
  dst = edge_index[1]
  pad = EP - E
  src_p = jnp.concatenate([src, jnp.zeros((pad,), jnp.int32)])
  dst_p = jnp.concatenate([dst, jnp.full((pad,), N, jnp.int32)])
  srcs = jnp.stack([src_p, src_p + N]).reshape(NC, NS, CH, K)
  dsts = dst_p.reshape(NS, CH, K)
  zeros = jnp.zeros((ACC_PT, HALF), jnp.float32)
  ones = jnp.ones((K, HALF), jnp.float32)

  feat_t = _relayout(node_feat)
  degw = _deg(dsts, zeros, ones)
  msg1 = _agg(feat_t.reshape(NC * N, HALF), srcs, dsts, zeros)
  g = _layer1(msg1, node_feat, degw, W1, b1.reshape(1, HID_F), W2)
  msg2 = _agg(g.reshape(NC * N, HALF), srcs, dsts, zeros)
  return _layer2(msg2, g, degw, b2.reshape(1, OUT_F))

# --- scband reference (transcript-rebuilt; emitter-appended) ---
"""Pipeline reference for scband-graph-sage-62586263437626 (READ-ONLY COPY).

The authoritative reference and input builder live on the scoring server;
editing this copy changes nothing except your own understanding.
"""

import jax, jax.numpy as jnp
import numpy as np

N_NODES = 10000
N_EDGES = 160000
IN_SIZE = 256
HIDDEN = 512
OUT_SIZE = 256


def setup_inputs(seed: int = 0) -> dict:
    key = jax.random.key(seed)
    k1, k2, k3, k4, k5, k6 = jax.random.split(key, 6)
    node_feat = jax.random.normal(k1, (N_NODES, IN_SIZE), dtype=jnp.float32)
    edge_index = jax.random.randint(k2, (2, N_EDGES), 0, N_NODES, dtype=jnp.int32)
    # SAGEConv layer 1 (in=256 -> hidden=512), gcn aggregator: single fc_neigh (no bias) + separate bias param
    W1 = jax.random.normal(k3, (IN_SIZE, HIDDEN), dtype=jnp.float32) * (1.0 / np.sqrt(IN_SIZE))
    b1 = jnp.zeros((HIDDEN,), dtype=jnp.float32)
    # SAGEConv layer 2 (hidden=512 -> out=256)
    W2 = jax.random.normal(k4, (HIDDEN, OUT_SIZE), dtype=jnp.float32) * (1.0 / np.sqrt(HIDDEN))
    b2 = jnp.zeros((OUT_SIZE,), dtype=jnp.float32)
    return {"node_feat": node_feat, "edge_index": edge_index, "W1": W1, "b1": b1, "W2": W2, "b2": b2}


def _sage_conv_gcn(h, src, dst, W, b, n_nodes):
    # DGL SAGEConv with aggregator_type='gcn':
    #   h_neigh = (sum_{j in N(i)} h_j + h_i) / (in_deg(i) + 1)
    #   out = fc_neigh(h_neigh) + bias
    # (fc_neigh is linear, so applying it before or after the mean is equivalent,
    #  matching DGL's lin_before_mp optimization.)
    msg = jax.ops.segment_sum(h[src], dst, num_segments=n_nodes)
    deg = jax.ops.segment_sum(jnp.ones_like(dst, dtype=h.dtype), dst, num_segments=n_nodes)
    h_neigh = (msg + h) / (deg[:, None] + 1.0)
    return h_neigh @ W + b


def reference(node_feat, edge_index, W1, b1, W2, b2):
    src = edge_index[0]
    dst = edge_index[1]
    h = node_feat  # dropout p=0.0 -> identity
    h = _sage_conv_gcn(h, src, dst, W1, b1, N_NODES)
    h = jax.nn.relu(h)  # activation between layers; dropout p=0.0 -> identity
    h = _sage_conv_gcn(h, src, dst, W2, b2, N_NODES)
    return h

if __name__ == "__main__":
    import jax
    _d = setup_inputs()
    print(jax.jit(kernel)(*tuple(_d.values())))

</pallas_src>

<mosaic_0001>
#map = affine_map<(d0, d1) -> (0, 0)>
#map1 = affine_map<(d0, d1) -> (0, 0, 0, 0)>
#map2 = affine_map<(d0, d1) -> (0, 0, 0)>
module attributes {stable_mosaic.version = 14 : i64} {
  func.func @_agg_body(%arg0: i32, %arg1: i32, %arg2: memref<20000x128xf32, #tpu.memory_space<hbm>>, %arg3: memref<2x16x80x128xi32, #tpu.memory_space<hbm>>, %arg4: memref<16x80x128xi32, #tpu.memory_space<hbm>>, %arg5: memref<632x128xf32, #tpu.memory_space<hbm>>, %arg6: memref<2x10000x128xf32, #tpu.memory_space<hbm>>, %arg7: memref<40x128xi32, #tpu.memory_space<vmem>>, %arg8: memref<40x128xi32, #tpu.memory_space<vmem>>, %arg9: memref<128x128xf32, #tpu.memory_space<vmem>>, %arg10: memref<128x128xf32, #tpu.memory_space<vmem>>, %arg11: memref<10112x128xf32, #tpu.memory_space<vmem_shared>>, %arg12: memref<!tpu.dma_semaphore, #tpu.memory_space<semaphore_mem>>, %arg13: memref<!tpu.dma_semaphore, #tpu.memory_space<semaphore_mem>>, %arg14: memref<!tpu.dma_semaphore, #tpu.memory_space<semaphore_mem>>, %arg15: memref<!tpu.dma_semaphore, #tpu.memory_space<semaphore_mem>>) attributes {dimension_semantics = [#tpu.dimension_semantics<core_parallel>, #tpu.dimension_semantics<subcore_parallel>], iteration_bounds = array<i64: 2, 16>, scalar_prefetch = 0 : i64, scratch_operands = 9 : i64, tpu.core_type = #tpu.core_type<sc_vector_subcore>, window_params = [{transform_indices = #map}, {transform_indices = #map1}, {transform_indices = #map2}, {transform_indices = #map}, {transform_indices = #map2}]} {
    %mul3A = arith.constant 632 : i32
    %mul3A_0 = arith.muli %arg1, %mul3A : i32
    "tpu.region"() ({
      %run_scoped3A = tpu.sem_alloc : memref<!tpu.dma_semaphore, #tpu.memory_space<semaphore_mem>>
      %dma_start3A_45 = arith.constant 0 : i32
      %dma_start3A_46 = tpu.memref_slice %arg11[%mul3A_0, %dma_start3A_45] : memref<10112x128xf32, #tpu.memory_space<vmem_shared>> -> memref<632x128xf32, #tpu.memory_space<vmem_shared>>
      tpu.enqueue_dma source(%arg5 : memref<632x128xf32, #tpu.memory_space<hbm>>) target(%dma_start3A_46 : memref<632x128xf32, #tpu.memory_space<vmem_shared>>) target_semaphore(%run_scoped3A : memref<!tpu.dma_semaphore, #tpu.memory_space<semaphore_mem>>)
      %dma_wait3A_47 = arith.constant 0 : i32
      %dma_wait3A_48 = tpu.memref_slice %arg11[%mul3A_0, %dma_wait3A_47] : memref<10112x128xf32, #tpu.memory_space<vmem_shared>> -> memref<632x128xf32, #tpu.memory_space<vmem_shared>>
      tpu.wait_dma2 semaphore(%run_scoped3A : memref<!tpu.dma_semaphore, #tpu.memory_space<semaphore_mem>>) src(%arg5 : memref<632x128xf32, #tpu.memory_space<hbm>>) dst(%dma_wait3A_48 : memref<632x128xf32, #tpu.memory_space<vmem_shared>>)
      tpu.yield
    }) : () -> ()
    %barrier3A = arith.constant 0 : index
    tpu.barrier barrier_id(%barrier3A)
    "tpu.region"() ({
      %run_scoped3A = tpu.sem_alloc : memref<!tpu.dma_semaphore, #tpu.memory_space<semaphore_mem>>
      %dma_start3A_45 = arith.constant 0 : i32
      %dma_start3A_46 = arith.constant 0 : i32
      %dma_start3A_47 = tpu.memref_slice %arg3[%arg0, %arg1, %dma_start3A_45, %dma_start3A_46] : memref<2x16x80x128xi32, #tpu.memory_space<hbm>> -> memref<1x1x40x128xi32, #tpu.memory_space<hbm>>
      %dma_start3A_48 = tpu.memref_squeeze %dma_start3A_47 : memref<1x1x40x128xi32, #tpu.memory_space<hbm>> -> memref<40x128xi32, #tpu.memory_space<hbm>>
      %dma_start3A_49 = arith.constant 0 : i32
      %dma_start3A_50 = arith.constant 0 : i32
      %dma_start3A_51 = tpu.memref_slice %arg3[%arg0, %arg1, %dma_start3A_49, %dma_start3A_50] : memref<2x16x80x128xi32, #tpu.memory_space<hbm>> -> memref<1x1x40x128xi32, #tpu.memory_space<hbm>>
      %dma_start3A_52 = tpu.memref_squeeze %dma_start3A_51 : memref<1x1x40x128xi32, #tpu.memory_space<hbm>> -> memref<40x128xi32, #tpu.memory_space<hbm>>
      tpu.enqueue_dma source(%dma_start3A_52 : memref<40x128xi32, #tpu.memory_space<hbm>>) target(%arg7 : memref<40x128xi32, #tpu.memory_space<vmem>>) target_semaphore(%run_scoped3A : memref<!tpu.dma_semaphore, #tpu.memory_space<semaphore_mem>>)
      %dma_wait3A_53 = arith.constant 0 : i32
      %dma_wait3A_54 = arith.constant 0 : i32
      %dma_wait3A_55 = tpu.memref_slice %arg3[%arg0, %arg1, %dma_wait3A_53, %dma_wait3A_54] : memref<2x16x80x128xi32, #tpu.memory_space<hbm>> -> memref<1x1x40x128xi32, #tpu.memory_space<hbm>>
      %dma_wait3A_56 = tpu.memref_squeeze %dma_wait3A_55 : memref<1x1x40x128xi32, #tpu.memory_space<hbm>> -> memref<40x128xi32, #tpu.memory_space<hbm>>
      %dma_wait3A_57 = arith.constant 0 : i32
      %dma_wait3A_58 = arith.constant 0 : i32
      %dma_wait3A_59 = tpu.memref_slice %arg3[%arg0, %arg1, %dma_wait3A_57, %dma_wait3A_58] : memref<2x16x80x128xi32, #tpu.memory_space<hbm>> -> memref<1x1x40x128xi32, #tpu.memory_space<hbm>>
      %dma_wait3A_60 = tpu.memref_squeeze %dma_wait3A_59 : memref<1x1x40x128xi32, #tpu.memory_space<hbm>> -> memref<40x128xi32, #tpu.memory_space<hbm>>
      tpu.wait_dma2 semaphore(%run_scoped3A : memref<!tpu.dma_semaphore, #tpu.memory_space<semaphore_mem>>) src(%dma_wait3A_60 : memref<40x128xi32, #tpu.memory_space<hbm>>) dst(%arg7 : memref<40x128xi32, #tpu.memory_space<vmem>>)
      tpu.yield
    }) : () -> ()
    "tpu.region"() ({
      %run_scoped3A = tpu.sem_alloc : memref<!tpu.dma_semaphore, #tpu.memory_space<semaphore_mem>>
      %dma_start3A_45 = arith.constant 0 : i32
      %dma_start3A_46 = arith.constant 0 : i32
      %dma_start3A_47 = tpu.memref_slice %arg4[%arg1, %dma_start3A_45, %dma_start3A_46] : memref<16x80x128xi32, #tpu.memory_space<hbm>> -> memref<1x40x128xi32, #tpu.memory_space<hbm>>
      %dma_start3A_48 = tpu.memref_squeeze %dma_start3A_47 : memref<1x40x128xi32, #tpu.memory_space<hbm>> -> memref<40x128xi32, #tpu.memory_space<hbm>>
      %dma_start3A_49 = arith.constant 0 : i32
      %dma_start3A_50 = arith.constant 0 : i32
      %dma_start3A_51 = tpu.memref_slice %arg4[%arg1, %dma_start3A_49, %dma_start3A_50] : memref<16x80x128xi32, #tpu.memory_space<hbm>> -> memref<1x40x128xi32, #tpu.memory_space<hbm>>
      %dma_start3A_52 = tpu.memref_squeeze %dma_start3A_51 : memref<1x40x128xi32, #tpu.memory_space<hbm>> -> memref<40x128xi32, #tpu.memory_space<hbm>>
      tpu.enqueue_dma source(%dma_start3A_52 : memref<40x128xi32, #tpu.memory_space<hbm>>) target(%arg8 : memref<40x128xi32, #tpu.memory_space<vmem>>) target_semaphore(%run_scoped3A : memref<!tpu.dma_semaphore, #tpu.memory_space<semaphore_mem>>)
      %dma_wait3A_53 = arith.constant 0 : i32
      %dma_wait3A_54 = arith.constant 0 : i32
      %dma_wait3A_55 = tpu.memref_slice %arg4[%arg1, %dma_wait3A_53, %dma_wait3A_54] : memref<16x80x128xi32, #tpu.memory_space<hbm>> -> memref<1x40x128xi32, #tpu.memory_space<hbm>>
      %dma_wait3A_56 = tpu.memref_squeeze %dma_wait3A_55 : memref<1x40x128xi32, #tpu.memory_space<hbm>> -> memref<40x128xi32, #tpu.memory_space<hbm>>
      %dma_wait3A_57 = arith.constant 0 : i32
      %dma_wait3A_58 = arith.constant 0 : i32
      %dma_wait3A_59 = tpu.memref_slice %arg4[%arg1, %dma_wait3A_57, %dma_wait3A_58] : memref<16x80x128xi32, #tpu.memory_space<hbm>> -> memref<1x40x128xi32, #tpu.memory_space<hbm>>
      %dma_wait3A_60 = tpu.memref_squeeze %dma_wait3A_59 : memref<1x40x128xi32, #tpu.memory_space<hbm>> -> memref<40x128xi32, #tpu.memory_space<hbm>>
      tpu.wait_dma2 semaphore(%run_scoped3A : memref<!tpu.dma_semaphore, #tpu.memory_space<semaphore_mem>>) src(%dma_wait3A_60 : memref<40x128xi32, #tpu.memory_space<hbm>>) dst(%arg8 : memref<40x128xi32, #tpu.memory_space<vmem>>)
      tpu.yield
    }) : () -> ()
    %dma_start3A = arith.constant 0 : i32
    %dma_start3A_1 = arith.constant 0 : i32
    %dma_start3A_2 = tpu.memref_slice %arg7[%dma_start3A, %dma_start3A_1] : memref<40x128xi32, #tpu.memory_space<vmem>> -> memref<1x128xi32, #tpu.memory_space<vmem>>
    %dma_start3A_3 = tpu.memref_squeeze %dma_start3A_2 : memref<1x128xi32, #tpu.memory_space<vmem>> -> memref<128xi32, #tpu.memory_space<vmem>>
    %dma_start3A_4 = arith.constant 0 : i32
    %dma_start3A_5 = arith.constant 0 : i32
    %dma_start3A_6 = tpu.memref_slice %arg2[%dma_start3A_4, %dma_start3A_5] : memref<20000x128xf32, #tpu.memory_space<hbm>> -> memref<20000x128xf32, #tpu.memory_space<hbm>>
    tpu.enqueue_indirect_dma source(%dma_start3A_6 : memref<20000x128xf32, #tpu.memory_space<hbm>>) target(%arg9 : memref<128x128xf32, #tpu.memory_space<vmem>>) offsets(%dma_start3A_3 : memref<128xi32, #tpu.memory_space<vmem>>) semaphore(%arg12 : memref<!tpu.dma_semaphore, #tpu.memory_space<semaphore_mem>>)
    %scan3A = arith.constant 0 : i32
    %scan3A_7 = arith.constant 0 : i32
    %scan3A_8 = arith.constant 20 : i32
    %scan3A_9 = arith.addi %scan3A_7, %scan3A_8 : i32
    %scan3A_10 = arith.constant 1 : i32
    scf.for %scan3A_45 = %scan3A_7 to %scan3A_9 step %scan3A_10  : i32 {
      %mul3A_46 = arith.constant 2 : i32
      %mul3A_47 = arith.muli %mul3A_46, %scan3A_45 : i32
      %mul3A_48 = arith.constant 2 : i32
      %mul3A_49 = arith.muli %mul3A_48, %scan3A_45 : i32
      %add3A = arith.constant 1 : i32
      %add3A_50 = arith.addi %mul3A_49, %add3A : i32
      %dma_wait3A_51 = arith.constant 0 : i32
      %dma_wait3A_52 = tpu.memref_slice %arg7[%mul3A_47, %dma_wait3A_51] : memref<40x128xi32, #tpu.memory_space<vmem>> -> memref<1x128xi32, #tpu.memory_space<vmem>>
      %dma_wait3A_53 = tpu.memref_squeeze %dma_wait3A_52 : memref<1x128xi32, #tpu.memory_space<vmem>> -> memref<128xi32, #tpu.memory_space<vmem>>
      %dma_wait3A_54 = arith.constant 0 : i32
      %dma_wait3A_55 = arith.constant 0 : i32
      %dma_wait3A_56 = tpu.memref_slice %arg2[%dma_wait3A_54, %dma_wait3A_55] : memref<20000x128xf32, #tpu.memory_space<hbm>> -> memref<20000x128xf32, #tpu.memory_space<hbm>>
      tpu.wait_indirect_dma semaphore(%arg12 : memref<!tpu.dma_semaphore, #tpu.memory_space<semaphore_mem>>) src(%dma_wait3A_56 : memref<20000x128xf32, #tpu.memory_space<hbm>>) dst(%arg9 : memref<128x128xf32, #tpu.memory_space<vmem>>)
      %dma_start3A_57 = arith.constant 0 : i32
      %dma_start3A_58 = tpu.memref_slice %arg8[%mul3A_47, %dma_start3A_57] : memref<40x128xi32, #tpu.memory_space<vmem>> -> memref<1x128xi32, #tpu.memory_space<vmem>>
      %dma_start3A_59 = tpu.memref_squeeze %dma_start3A_58 : memref<1x128xi32, #tpu.memory_space<vmem>> -> memref<128xi32, #tpu.memory_space<vmem>>
      %dma_start3A_60 = arith.constant 0 : i32
      %dma_start3A_61 = arith.constant 0 : i32
      %dma_start3A_62 = tpu.memref_slice %arg11[%dma_start3A_60, %dma_start3A_61] : memref<10112x128xf32, #tpu.memory_space<vmem_shared>> -> memref<10112x128xf32, #tpu.memory_space<vmem_shared>>
      tpu.enqueue_indirect_dma source(%arg9 : memref<128x128xf32, #tpu.memory_space<vmem>>) target(%dma_start3A_62 : memref<10112x128xf32, #tpu.memory_space<vmem_shared>>) offsets(%dma_start3A_59 : memref<128xi32, #tpu.memory_space<vmem>>) semaphore(%arg14 : memref<!tpu.dma_semaphore, #tpu.memory_space<semaphore_mem>>) {add = true}
      %gt3A = arith.constant 0 : i32
      %gt3A_63 = arith.cmpi sgt, %scan3A_45, %gt3A : i32
      %convert_element_type3A_64 = arith.extui %gt3A_63 : i1 to i32
      %cond3A_65 = arith.constant 0 : i32
      %cond3A_66 = arith.cmpi ne, %convert_element_type3A_64, %cond3A_65 : i32
      scf.if %cond3A_66 {
        %sub3A = arith.constant 2 : i32
        %sub3A_95 = arith.subi %add3A_50, %sub3A : i32
        %dma_wait3A_96 = arith.constant 0 : i32
        %dma_wait3A_97 = tpu.memref_slice %arg8[%sub3A_95, %dma_wait3A_96] : memref<40x128xi32, #tpu.memory_space<vmem>> -> memref<1x128xi32, #tpu.memory_space<vmem>>
        %dma_wait3A_98 = tpu.memref_squeeze %dma_wait3A_97 : memref<1x128xi32, #tpu.memory_space<vmem>> -> memref<128xi32, #tpu.memory_space<vmem>>
        %dma_wait3A_99 = arith.constant 0 : i32
        %dma_wait3A_100 = arith.constant 0 : i32
        %dma_wait3A_101 = tpu.memref_slice %arg11[%dma_wait3A_99, %dma_wait3A_100] : memref<10112x128xf32, #tpu.memory_space<vmem_shared>> -> memref<10112x128xf32, #tpu.memory_space<vmem_shared>>
        tpu.wait_indirect_dma semaphore(%arg15 : memref<!tpu.dma_semaphore, #tpu.memory_space<semaphore_mem>>) src(%arg10 : memref<128x128xf32, #tpu.memory_space<vmem>>) dst(%dma_wait3A_101 : memref<10112x128xf32, #tpu.memory_space<vmem_shared>>)
      } else {
      }
      %dma_start3A_67 = arith.constant 0 : i32
      %dma_start3A_68 = tpu.memref_slice %arg7[%add3A_50, %dma_start3A_67] : memref<40x128xi32, #tpu.memory_space<vmem>> -> memref<1x128xi32, #tpu.memory_space<vmem>>
      %dma_start3A_69 = tpu.memref_squeeze %dma_start3A_68 : memref<1x128xi32, #tpu.memory_space<vmem>> -> memref<128xi32, #tpu.memory_space<vmem>>
      %dma_start3A_70 = arith.constant 0 : i32
      %dma_start3A_71 = arith.constant 0 : i32
      %dma_start3A_72 = tpu.memref_slice %arg2[%dma_start3A_70, %dma_start3A_71] : memref<20000x128xf32, #tpu.memory_space<hbm>> -> memref<20000x128xf32, #tpu.memory_space<hbm>>
      tpu.enqueue_indirect_dma source(%dma_start3A_72 : memref<20000x128xf32, #tpu.memory_space<hbm>>) target(%arg10 : memref<128x128xf32, #tpu.memory_space<vmem>>) offsets(%dma_start3A_69 : memref<128xi32, #tpu.memory_space<vmem>>) semaphore(%arg13 : memref<!tpu.dma_semaphore, #tpu.memory_space<semaphore_mem>>)
      %dma_wait3A_73 = arith.constant 0 : i32
      %dma_wait3A_74 = tpu.memref_slice %arg7[%add3A_50, %dma_wait3A_73] : memref<40x128xi32, #tpu.memory_space<vmem>> -> memref<1x128xi32, #tpu.memory_space<vmem>>
      %dma_wait3A_75 = tpu.memref_squeeze %dma_wait3A_74 : memref<1x128xi32, #tpu.memory_space<vmem>> -> memref<128xi32, #tpu.memory_space<vmem>>
      %dma_wait3A_76 = arith.constant 0 : i32
      %dma_wait3A_77 = arith.constant 0 : i32
      %dma_wait3A_78 = tpu.memref_slice %arg2[%dma_wait3A_76, %dma_wait3A_77] : memref<20000x128xf32, #tpu.memory_space<hbm>> -> memref<20000x128xf32, #tpu.memory_space<hbm>>
      tpu.wait_indirect_dma semaphore(%arg13 : memref<!tpu.dma_semaphore, #tpu.memory_space<semaphore_mem>>) src(%dma_wait3A_78 : memref<20000x128xf32, #tpu.memory_space<hbm>>) dst(%arg10 : memref<128x128xf32, #tpu.memory_space<vmem>>)
      %dma_start3A_79 = arith.constant 0 : i32
      %dma_start3A_80 = tpu.memref_slice %arg8[%add3A_50, %dma_start3A_79] : memref<40x128xi32, #tpu.memory_space<vmem>> -> memref<1x128xi32, #tpu.memory_space<vmem>>
      %dma_start3A_81 = tpu.memref_squeeze %dma_start3A_80 : memref<1x128xi32, #tpu.memory_space<vmem>> -> memref<128xi32, #tpu.memory_space<vmem>>
      %dma_start3A_82 = arith.constant 0 : i32
      %dma_start3A_83 = arith.constant 0 : i32
      %dma_start3A_84 = tpu.memref_slice %arg11[%dma_start3A_82, %dma_start3A_83] : memref<10112x128xf32, #tpu.memory_space<vmem_shared>> -> memref<10112x128xf32, #tpu.memory_space<vmem_shared>>
      tpu.enqueue_indirect_dma source(%arg10 : memref<128x128xf32, #tpu.memory_space<vmem>>) target(%dma_start3A_84 : memref<10112x128xf32, #tpu.memory_space<vmem_shared>>) offsets(%dma_start3A_81 : memref<128xi32, #tpu.memory_space<vmem>>) semaphore(%arg15 : memref<!tpu.dma_semaphore, #tpu.memory_space<semaphore_mem>>) {add = true}
      %dma_wait3A_85 = arith.constant 0 : i32
      %dma_wait3A_86 = tpu.memref_slice %arg8[%mul3A_47, %dma_wait3A_85] : memref<40x128xi32, #tpu.memory_space<vmem>> -> memref<1x128xi32, #tpu.memory_space<vmem>>
      %dma_wait3A_87 = tpu.memref_squeeze %dma_wait3A_86 : memref<1x128xi32, #tpu.memory_space<vmem>> -> memref<128xi32, #tpu.memory_space<vmem>>
      %dma_wait3A_88 = arith.constant 0 : i32
      %dma_wait3A_89 = arith.constant 0 : i32
      %dma_wait3A_90 = tpu.memref_slice %arg11[%dma_wait3A_88, %dma_wait3A_89] : memref<10112x128xf32, #tpu.memory_space<vmem_shared>> -> memref<10112x128xf32, #tpu.memory_space<vmem_shared>>
      tpu.wait_indirect_dma semaphore(%arg14 : memref<!tpu.dma_semaphore, #tpu.memory_space<semaphore_mem>>) src(%arg9 : memref<128x128xf32, #tpu.memory_space<vmem>>) dst(%dma_wait3A_90 : memref<10112x128xf32, #tpu.memory_space<vmem_shared>>)
      %lt3A = arith.constant 19 : i32
      %lt3A_91 = arith.cmpi slt, %scan3A_45, %lt3A : i32
      %convert_element_type3A_92 = arith.extui %lt3A_91 : i1 to i32
      %cond3A_93 = arith.constant 0 : i32
      %cond3A_94 = arith.cmpi ne, %convert_element_type3A_92, %cond3A_93 : i32
      scf.if %cond3A_94 {
        %add3A_95 = arith.constant 2 : i32
        %add3A_96 = arith.addi %mul3A_47, %add3A_95 : i32
        %dma_start3A_97 = arith.constant 0 : i32
        %dma_start3A_98 = tpu.memref_slice %arg7[%add3A_96, %dma_start3A_97] : memref<40x128xi32, #tpu.memory_space<vmem>> -> memref<1x128xi32, #tpu.memory_space<vmem>>
        %dma_start3A_99 = tpu.memref_squeeze %dma_start3A_98 : memref<1x128xi32, #tpu.memory_space<vmem>> -> memref<128xi32, #tpu.memory_space<vmem>>
        %dma_start3A_100 = arith.constant 0 : i32
        %dma_start3A_101 = arith.constant 0 : i32
        %dma_start3A_102 = tpu.memref_slice %arg2[%dma_start3A_100, %dma_start3A_101] : memref<20000x128xf32, #tpu.memory_space<hbm>> -> memref<20000x128xf32, #tpu.memory_space<hbm>>
        tpu.enqueue_indirect_dma source(%dma_start3A_102 : memref<20000x128xf32, #tpu.memory_space<hbm>>) target(%arg9 : memref<128x128xf32, #tpu.memory_space<vmem>>) offsets(%dma_start3A_99 : memref<128xi32, #tpu.memory_space<vmem>>) semaphore(%arg12 : memref<!tpu.dma_semaphore, #tpu.memory_space<semaphore_mem>>)
      } else {
      }
    }
    %scan3A_11 = arith.constant 20 : i32
    %dma_wait3A = arith.constant 39 : i32
    %dma_wait3A_12 = arith.constant 0 : i32
    %dma_wait3A_13 = tpu.memref_slice %arg8[%dma_wait3A, %dma_wait3A_12] : memref<40x128xi32, #tpu.memory_space<vmem>> -> memref<1x128xi32, #tpu.memory_space<vmem>>
    %dma_wait3A_14 = tpu.memref_squeeze %dma_wait3A_13 : memref<1x128xi32, #tpu.memory_space<vmem>> -> memref<128xi32, #tpu.memory_space<vmem>>
    %dma_wait3A_15 = arith.constant 0 : i32
    %dma_wait3A_16 = arith.constant 0 : i32
    %dma_wait3A_17 = tpu.memref_slice %arg11[%dma_wait3A_15, %dma_wait3A_16] : memref<10112x128xf32, #tpu.memory_space<vmem_shared>> -> memref<10112x128xf32, #tpu.memory_space<vmem_shared>>
    tpu.wait_indirect_dma semaphore(%arg15 : memref<!tpu.dma_semaphore, #tpu.memory_space<semaphore_mem>>) src(%arg10 : memref<128x128xf32, #tpu.memory_space<vmem>>) dst(%dma_wait3A_17 : memref<10112x128xf32, #tpu.memory_space<vmem_shared>>)
    "tpu.region"() ({
      %run_scoped3A = tpu.sem_alloc : memref<!tpu.dma_semaphore, #tpu.memory_space<semaphore_mem>>
      %dma_start3A_45 = arith.constant 40 : i32
      %dma_start3A_46 = arith.constant 0 : i32
      %dma_start3A_47 = tpu.memref_slice %arg3[%arg0, %arg1, %dma_start3A_45, %dma_start3A_46] : memref<2x16x80x128xi32, #tpu.memory_space<hbm>> -> memref<1x1x40x128xi32, #tpu.memory_space<hbm>>
      %dma_start3A_48 = tpu.memref_squeeze %dma_start3A_47 : memref<1x1x40x128xi32, #tpu.memory_space<hbm>> -> memref<40x128xi32, #tpu.memory_space<hbm>>
      %dma_start3A_49 = arith.constant 40 : i32
      %dma_start3A_50 = arith.constant 0 : i32
      %dma_start3A_51 = tpu.memref_slice %arg3[%arg0, %arg1, %dma_start3A_49, %dma_start3A_50] : memref<2x16x80x128xi32, #tpu.memory_space<hbm>> -> memref<1x1x40x128xi32, #tpu.memory_space<hbm>>
      %dma_start3A_52 = tpu.memref_squeeze %dma_start3A_51 : memref<1x1x40x128xi32, #tpu.memory_space<hbm>> -> memref<40x128xi32, #tpu.memory_space<hbm>>
      tpu.enqueue_dma source(%dma_start3A_52 : memref<40x128xi32, #tpu.memory_space<hbm>>) target(%arg7 : memref<40x128xi32, #tpu.memory_space<vmem>>) target_semaphore(%run_scoped3A : memref<!tpu.dma_semaphore, #tpu.memory_space<semaphore_mem>>)
      %dma_wait3A_53 = arith.constant 40 : i32
      %dma_wait3A_54 = arith.constant 0 : i32
      %dma_wait3A_55 = tpu.memref_slice %arg3[%arg0, %arg1, %dma_wait3A_53, %dma_wait3A_54] : memref<2x16x80x128xi32, #tpu.memory_space<hbm>> -> memref<1x1x40x128xi32, #tpu.memory_space<hbm>>
      %dma_wait3A_56 = tpu.memref_squeeze %dma_wait3A_55 : memref<1x1x40x128xi32, #tpu.memory_space<hbm>> -> memref<40x128xi32, #tpu.memory_space<hbm>>
      %dma_wait3A_57 = arith.constant 40 : i32
      %dma_wait3A_58 = arith.constant 0 : i32
      %dma_wait3A_59 = tpu.memref_slice %arg3[%arg0, %arg1, %dma_wait3A_57, %dma_wait3A_58] : memref<2x16x80x128xi32, #tpu.memory_space<hbm>> -> memref<1x1x40x128xi32, #tpu.memory_space<hbm>>
      %dma_wait3A_60 = tpu.memref_squeeze %dma_wait3A_59 : memref<1x1x40x128xi32, #tpu.memory_space<hbm>> -> memref<40x128xi32, #tpu.memory_space<hbm>>
      tpu.wait_dma2 semaphore(%run_scoped3A : memref<!tpu.dma_semaphore, #tpu.memory_space<semaphore_mem>>) src(%dma_wait3A_60 : memref<40x128xi32, #tpu.memory_space<hbm>>) dst(%arg7 : memref<40x128xi32, #tpu.memory_space<vmem>>)
      tpu.yield
    }) : () -> ()
    "tpu.region"() ({
      %run_scoped3A = tpu.sem_alloc : memref<!tpu.dma_semaphore, #tpu.memory_space<semaphore_mem>>
      %dma_start3A_45 = arith.constant 40 : i32
      %dma_start3A_46 = arith.constant 0 : i32
      %dma_start3A_47 = tpu.memref_slice %arg4[%arg1, %dma_start3A_45, %dma_start3A_46] : memref<16x80x128xi32, #tpu.memory_space<hbm>> -> memref<1x40x128xi32, #tpu.memory_space<hbm>>
      %dma_start3A_48 = tpu.memref_squeeze %dma_start3A_47 : memref<1x40x128xi32, #tpu.memory_space<hbm>> -> memref<40x128xi32, #tpu.memory_space<hbm>>
      %dma_start3A_49 = arith.constant 40 : i32
      %dma_start3A_50 = arith.constant 0 : i32
      %dma_start3A_51 = tpu.memref_slice %arg4[%arg1, %dma_start3A_49, %dma_start3A_50] : memref<16x80x128xi32, #tpu.memory_space<hbm>> -> memref<1x40x128xi32, #tpu.memory_space<hbm>>
      %dma_start3A_52 = tpu.memref_squeeze %dma_start3A_51 : memref<1x40x128xi32, #tpu.memory_space<hbm>> -> memref<40x128xi32, #tpu.memory_space<hbm>>
      tpu.enqueue_dma source(%dma_start3A_52 : memref<40x128xi32, #tpu.memory_space<hbm>>) target(%arg8 : memref<40x128xi32, #tpu.memory_space<vmem>>) target_semaphore(%run_scoped3A : memref<!tpu.dma_semaphore, #tpu.memory_space<semaphore_mem>>)
      %dma_wait3A_53 = arith.constant 40 : i32
      %dma_wait3A_54 = arith.constant 0 : i32
      %dma_wait3A_55 = tpu.memref_slice %arg4[%arg1, %dma_wait3A_53, %dma_wait3A_54] : memref<16x80x128xi32, #tpu.memory_space<hbm>> -> memref<1x40x128xi32, #tpu.memory_space<hbm>>
      %dma_wait3A_56 = tpu.memref_squeeze %dma_wait3A_55 : memref<1x40x128xi32, #tpu.memory_space<hbm>> -> memref<40x128xi32, #tpu.memory_space<hbm>>
      %dma_wait3A_57 = arith.constant 40 : i32
      %dma_wait3A_58 = arith.constant 0 : i32
      %dma_wait3A_59 = tpu.memref_slice %arg4[%arg1, %dma_wait3A_57, %dma_wait3A_58] : memref<16x80x128xi32, #tpu.memory_space<hbm>> -> memref<1x40x128xi32, #tpu.memory_space<hbm>>
      %dma_wait3A_60 = tpu.memref_squeeze %dma_wait3A_59 : memref<1x40x128xi32, #tpu.memory_space<hbm>> -> memref<40x128xi32, #tpu.memory_space<hbm>>
      tpu.wait_dma2 semaphore(%run_scoped3A : memref<!tpu.dma_semaphore, #tpu.memory_space<semaphore_mem>>) src(%dma_wait3A_60 : memref<40x128xi32, #tpu.memory_space<hbm>>) dst(%arg8 : memref<40x128xi32, #tpu.memory_space<vmem>>)
      tpu.yield
    }) : () -> ()
    %dma_start3A_18 = arith.constant 0 : i32
    %dma_start3A_19 = arith.constant 0 : i32
    %dma_start3A_20 = tpu.memref_slice %arg7[%dma_start3A_18, %dma_start3A_19] : memref<40x128xi32, #tpu.memory_space<vmem>> -> memref<1x128xi32, #tpu.memory_space<vmem>>
    %dma_start3A_21 = tpu.memref_squeeze %dma_start3A_20 : memref<1x128xi32, #tpu.memory_space<vmem>> -> memref<128xi32, #tpu.memory_space<vmem>>
    %dma_start3A_22 = arith.constant 0 : i32
    %dma_start3A_23 = arith.constant 0 : i32
    %dma_start3A_24 = tpu.memref_slice %arg2[%dma_start3A_22, %dma_start3A_23] : memref<20000x128xf32, #tpu.memory_space<hbm>> -> memref<20000x128xf32, #tpu.memory_space<hbm>>
    tpu.enqueue_indirect_dma source(%dma_start3A_24 : memref<20000x128xf32, #tpu.memory_space<hbm>>) target(%arg9 : memref<128x128xf32, #tpu.memory_space<vmem>>) offsets(%dma_start3A_21 : memref<128xi32, #tpu.memory_space<vmem>>) semaphore(%arg12 : memref<!tpu.dma_semaphore, #tpu.memory_space<semaphore_mem>>)
    %scan3A_25 = arith.constant 0 : i32
    %scan3A_26 = arith.constant 0 : i32
    %scan3A_27 = arith.constant 20 : i32
    %scan3A_28 = arith.addi %scan3A_26, %scan3A_27 : i32
    %scan3A_29 = arith.constant 1 : i32
    scf.for %scan3A_45 = %scan3A_26 to %scan3A_28 step %scan3A_29  : i32 {
      %mul3A_46 = arith.constant 2 : i32
      %mul3A_47 = arith.muli %mul3A_46, %scan3A_45 : i32
      %mul3A_48 = arith.constant 2 : i32
      %mul3A_49 = arith.muli %mul3A_48, %scan3A_45 : i32
      %add3A = arith.constant 1 : i32
      %add3A_50 = arith.addi %mul3A_49, %add3A : i32
      %dma_wait3A_51 = arith.constant 0 : i32
      %dma_wait3A_52 = tpu.memref_slice %arg7[%mul3A_47, %dma_wait3A_51] : memref<40x128xi32, #tpu.memory_space<vmem>> -> memref<1x128xi32, #tpu.memory_space<vmem>>
      %dma_wait3A_53 = tpu.memref_squeeze %dma_wait3A_52 : memref<1x128xi32, #tpu.memory_space<vmem>> -> memref<128xi32, #tpu.memory_space<vmem>>
      %dma_wait3A_54 = arith.constant 0 : i32
      %dma_wait3A_55 = arith.constant 0 : i32
      %dma_wait3A_56 = tpu.memref_slice %arg2[%dma_wait3A_54, %dma_wait3A_55] : memref<20000x128xf32, #tpu.memory_space<hbm>> -> memref<20000x128xf32, #tpu.memory_space<hbm>>
      tpu.wait_indirect_dma semaphore(%arg12 : memref<!tpu.dma_semaphore, #tpu.memory_space<semaphore_mem>>) src(%dma_wait3A_56 : memref<20000x128xf32, #tpu.memory_space<hbm>>) dst(%arg9 : memref<128x128xf32, #tpu.memory_space<vmem>>)
      %dma_start3A_57 = arith.constant 0 : i32
      %dma_start3A_58 = tpu.memref_slice %arg8[%mul3A_47, %dma_start3A_57] : memref<40x128xi32, #tpu.memory_space<vmem>> -> memref<1x128xi32, #tpu.memory_space<vmem>>
      %dma_start3A_59 = tpu.memref_squeeze %dma_start3A_58 : memref<1x128xi32, #tpu.memory_space<vmem>> -> memref<128xi32, #tpu.memory_space<vmem>>
      %dma_start3A_60 = arith.constant 0 : i32
      %dma_start3A_61 = arith.constant 0 : i32
      %dma_start3A_62 = tpu.memref_slice %arg11[%dma_start3A_60, %dma_start3A_61] : memref<10112x128xf32, #tpu.memory_space<vmem_shared>> -> memref<10112x128xf32, #tpu.memory_space<vmem_shared>>
      tpu.enqueue_indirect_dma source(%arg9 : memref<128x128xf32, #tpu.memory_space<vmem>>) target(%dma_start3A_62 : memref<10112x128xf32, #tpu.memory_space<vmem_shared>>) offsets(%dma_start3A_59 : memref<128xi32, #tpu.memory_space<vmem>>) semaphore(%arg14 : memref<!tpu.dma_semaphore, #tpu.memory_space<semaphore_mem>>) {add = true}
      %gt3A = arith.constant 0 : i32
      %gt3A_63 = arith.cmpi sgt, %scan3A_45, %gt3A : i32
      %convert_element_type3A_64 = arith.extui %gt3A_63 : i1 to i32
      %cond3A_65 = arith.constant 0 : i32
      %cond3A_66 = arith.cmpi ne, %convert_element_type3A_64, %cond3A_65 : i32
      scf.if %cond3A_66 {
        %sub3A = arith.constant 2 : i32
        %sub3A_95 = arith.subi %add3A_50, %sub3A : i32
        %dma_wait3A_96 = arith.constant 0 : i32
        %dma_wait3A_97 = tpu.memref_slice %arg8[%sub3A_95, %dma_wait3A_96] : memref<40x128xi32, #tpu.memory_space<vmem>> -> memref<1x128xi32, #tpu.memory_space<vmem>>
        %dma_wait3A_98 = tpu.memref_squeeze %dma_wait3A_97 : memref<1x128xi32, #tpu.memory_space<vmem>> -> memref<128xi32, #tpu.memory_space<vmem>>
        %dma_wait3A_99 = arith.constant 0 : i32
        %dma_wait3A_100 = arith.constant 0 : i32
        %dma_wait3A_101 = tpu.memref_slice %arg11[%dma_wait3A_99, %dma_wait3A_100] : memref<10112x128xf32, #tpu.memory_space<vmem_shared>> -> memref<10112x128xf32, #tpu.memory_space<vmem_shared>>
        tpu.wait_indirect_dma semaphore(%arg15 : memref<!tpu.dma_semaphore, #tpu.memory_space<semaphore_mem>>) src(%arg10 : memref<128x128xf32, #tpu.memory_space<vmem>>) dst(%dma_wait3A_101 : memref<10112x128xf32, #tpu.memory_space<vmem_shared>>)
      } else {
      }
      %dma_start3A_67 = arith.constant 0 : i32
      %dma_start3A_68 = tpu.memref_slice %arg7[%add3A_50, %dma_start3A_67] : memref<40x128xi32, #tpu.memory_space<vmem>> -> memref<1x128xi32, #tpu.memory_space<vmem>>
      %dma_start3A_69 = tpu.memref_squeeze %dma_start3A_68 : memref<1x128xi32, #tpu.memory_space<vmem>> -> memref<128xi32, #tpu.memory_space<vmem>>
      %dma_start3A_70 = arith.constant 0 : i32
      %dma_start3A_71 = arith.constant 0 : i32
      %dma_start3A_72 = tpu.memref_slice %arg2[%dma_start3A_70, %dma_start3A_71] : memref<20000x128xf32, #tpu.memory_space<hbm>> -> memref<20000x128xf32, #tpu.memory_space<hbm>>
      tpu.enqueue_indirect_dma source(%dma_start3A_72 : memref<20000x128xf32, #tpu.memory_space<hbm>>) target(%arg10 : memref<128x128xf32, #tpu.memory_space<vmem>>) offsets(%dma_start3A_69 : memref<128xi32, #tpu.memory_space<vmem>>) semaphore(%arg13 : memref<!tpu.dma_semaphore, #tpu.memory_space<semaphore_mem>>)
      %dma_wait3A_73 = arith.constant 0 : i32
      %dma_wait3A_74 = tpu.memref_slice %arg7[%add3A_50, %dma_wait3A_73] : memref<40x128xi32, #tpu.memory_space<vmem>> -> memref<1x128xi32, #tpu.memory_space<vmem>>
      %dma_wait3A_75 = tpu.memref_squeeze %dma_wait3A_74 : memref<1x128xi32, #tpu.memory_space<vmem>> -> memref<128xi32, #tpu.memory_space<vmem>>
      %dma_wait3A_76 = arith.constant 0 : i32
      %dma_wait3A_77 = arith.constant 0 : i32
      %dma_wait3A_78 = tpu.memref_slice %arg2[%dma_wait3A_76, %dma_wait3A_77] : memref<20000x128xf32, #tpu.memory_space<hbm>> -> memref<20000x128xf32, #tpu.memory_space<hbm>>
      tpu.wait_indirect_dma semaphore(%arg13 : memref<!tpu.dma_semaphore, #tpu.memory_space<semaphore_mem>>) src(%dma_wait3A_78 : memref<20000x128xf32, #tpu.memory_space<hbm>>) dst(%arg10 : memref<128x128xf32, #tpu.memory_space<vmem>>)
      %dma_start3A_79 = arith.constant 0 : i32
      %dma_start3A_80 = tpu.memref_slice %arg8[%add3A_50, %dma_start3A_79] : memref<40x128xi32, #tpu.memory_space<vmem>> -> memref<1x128xi32, #tpu.memory_space<vmem>>
      %dma_start3A_81 = tpu.memref_squeeze %dma_start3A_80 : memref<1x128xi32, #tpu.memory_space<vmem>> -> memref<128xi32, #tpu.memory_space<vmem>>
      %dma_start3A_82 = arith.constant 0 : i32
      %dma_start3A_83 = arith.constant 0 : i32
      %dma_start3A_84 = tpu.memref_slice %arg11[%dma_start3A_82, %dma_start3A_83] : memref<10112x128xf32, #tpu.memory_space<vmem_shared>> -> memref<10112x128xf32, #tpu.memory_space<vmem_shared>>
      tpu.enqueue_indirect_dma source(%arg10 : memref<128x128xf32, #tpu.memory_space<vmem>>) target(%dma_start3A_84 : memref<10112x128xf32, #tpu.memory_space<vmem_shared>>) offsets(%dma_start3A_81 : memref<128xi32, #tpu.memory_space<vmem>>) semaphore(%arg15 : memref<!tpu.dma_semaphore, #tpu.memory_space<semaphore_mem>>) {add = true}
      %dma_wait3A_85 = arith.constant 0 : i32
      %dma_wait3A_86 = tpu.memref_slice %arg8[%mul3A_47, %dma_wait3A_85] : memref<40x128xi32, #tpu.memory_space<vmem>> -> memref<1x128xi32, #tpu.memory_space<vmem>>
      %dma_wait3A_87 = tpu.memref_squeeze %dma_wait3A_86 : memref<1x128xi32, #tpu.memory_space<vmem>> -> memref<128xi32, #tpu.memory_space<vmem>>
      %dma_wait3A_88 = arith.constant 0 : i32
      %dma_wait3A_89 = arith.constant 0 : i32
      %dma_wait3A_90 = tpu.memref_slice %arg11[%dma_wait3A_88, %dma_wait3A_89] : memref<10112x128xf32, #tpu.memory_space<vmem_shared>> -> memref<10112x128xf32, #tpu.memory_space<vmem_shared>>
      tpu.wait_indirect_dma semaphore(%arg14 : memref<!tpu.dma_semaphore, #tpu.memory_space<semaphore_mem>>) src(%arg9 : memref<128x128xf32, #tpu.memory_space<vmem>>) dst(%dma_wait3A_90 : memref<10112x128xf32, #tpu.memory_space<vmem_shared>>)
      %lt3A = arith.constant 19 : i32
      %lt3A_91 = arith.cmpi slt, %scan3A_45, %lt3A : i32
      %convert_element_type3A_92 = arith.extui %lt3A_91 : i1 to i32
      %cond3A_93 = arith.constant 0 : i32
      %cond3A_94 = arith.cmpi ne, %convert_element_type3A_92, %cond3A_93 : i32
      scf.if %cond3A_94 {
        %add3A_95 = arith.constant 2 : i32
        %add3A_96 = arith.addi %mul3A_47, %add3A_95 : i32
        %dma_start3A_97 = arith.constant 0 : i32
        %dma_start3A_98 = tpu.memref_slice %arg7[%add3A_96, %dma_start3A_97] : memref<40x128xi32, #tpu.memory_space<vmem>> -> memref<1x128xi32, #tpu.memory_space<vmem>>
        %dma_start3A_99 = tpu.memref_squeeze %dma_start3A_98 : memref<1x128xi32, #tpu.memory_space<vmem>> -> memref<128xi32, #tpu.memory_space<vmem>>
        %dma_start3A_100 = arith.constant 0 : i32
        %dma_start3A_101 = arith.constant 0 : i32
        %dma_start3A_102 = tpu.memref_slice %arg2[%dma_start3A_100, %dma_start3A_101] : memref<20000x128xf32, #tpu.memory_space<hbm>> -> memref<20000x128xf32, #tpu.memory_space<hbm>>
        tpu.enqueue_indirect_dma source(%dma_start3A_102 : memref<20000x128xf32, #tpu.memory_space<hbm>>) target(%arg9 : memref<128x128xf32, #tpu.memory_space<vmem>>) offsets(%dma_start3A_99 : memref<128xi32, #tpu.memory_space<vmem>>) semaphore(%arg12 : memref<!tpu.dma_semaphore, #tpu.memory_space<semaphore_mem>>)
      } else {
      }
    }
    %scan3A_30 = arith.constant 20 : i32
    %dma_wait3A_31 = arith.constant 39 : i32
    %dma_wait3A_32 = arith.constant 0 : i32
    %dma_wait3A_33 = tpu.memref_slice %arg8[%dma_wait3A_31, %dma_wait3A_32] : memref<40x128xi32, #tpu.memory_space<vmem>> -> memref<1x128xi32, #tpu.memory_space<vmem>>
    %dma_wait3A_34 = tpu.memref_squeeze %dma_wait3A_33 : memref<1x128xi32, #tpu.memory_space<vmem>> -> memref<128xi32, #tpu.memory_space<vmem>>
    %dma_wait3A_35 = arith.constant 0 : i32
    %dma_wait3A_36 = arith.constant 0 : i32
    %dma_wait3A_37 = tpu.memref_slice %arg11[%dma_wait3A_35, %dma_wait3A_36] : memref<10112x128xf32, #tpu.memory_space<vmem_shared>> -> memref<10112x128xf32, #tpu.memory_space<vmem_shared>>
    tpu.wait_indirect_dma semaphore(%arg15 : memref<!tpu.dma_semaphore, #tpu.memory_space<semaphore_mem>>) src(%arg10 : memref<128x128xf32, #tpu.memory_space<vmem>>) dst(%dma_wait3A_37 : memref<10112x128xf32, #tpu.memory_space<vmem_shared>>)
    %barrier3A_38 = arith.constant 0 : index
    tpu.barrier barrier_id(%barrier3A_38)
    %mul3A_39 = arith.constant 624 : i32
    %mul3A_40 = arith.muli %arg1, %mul3A_39 : i32
    %mul3A_41 = arith.constant 624 : i32
    %mul3A_42 = arith.muli %arg1, %mul3A_41 : i32
    "tpu.region"() ({
      %run_scoped3A = tpu.sem_alloc : memref<!tpu.dma_semaphore, #tpu.memory_space<semaphore_mem>>
      %dma_start3A_45 = arith.constant 0 : i32
      %dma_start3A_46 = tpu.memref_slice %arg6[%arg0, %mul3A_42, %dma_start3A_45] : memref<2x10000x128xf32, #tpu.memory_space<hbm>> -> memref<1x624x128xf32, #tpu.memory_space<hbm>>
      %dma_start3A_47 = tpu.memref_squeeze %dma_start3A_46 : memref<1x624x128xf32, #tpu.memory_space<hbm>> -> memref<624x128xf32, #tpu.memory_space<hbm>>
      %dma_start3A_48 = arith.constant 0 : i32
      %dma_start3A_49 = tpu.memref_slice %arg11[%mul3A_40, %dma_start3A_48] : memref<10112x128xf32, #tpu.memory_space<vmem_shared>> -> memref<624x128xf32, #tpu.memory_space<vmem_shared>>
      tpu.enqueue_dma source(%dma_start3A_49 : memref<624x128xf32, #tpu.memory_space<vmem_shared>>) target(%dma_start3A_47 : memref<624x128xf32, #tpu.memory_space<hbm>>) target_semaphore(%run_scoped3A : memref<!tpu.dma_semaphore, #tpu.memory_space<semaphore_mem>>)
      %dma_wait3A_50 = arith.constant 0 : i32
      %dma_wait3A_51 = tpu.memref_slice %arg6[%arg0, %mul3A_42, %dma_wait3A_50] : memref<2x10000x128xf32, #tpu.memory_space<hbm>> -> memref<1x624x128xf32, #tpu.memory_space<hbm>>
      %dma_wait3A_52 = tpu.memref_squeeze %dma_wait3A_51 : memref<1x624x128xf32, #tpu.memory_space<hbm>> -> memref<624x128xf32, #tpu.memory_space<hbm>>
      %dma_wait3A_53 = arith.constant 0 : i32
      %dma_wait3A_54 = tpu.memref_slice %arg11[%mul3A_40, %dma_wait3A_53] : memref<10112x128xf32, #tpu.memory_space<vmem_shared>> -> memref<624x128xf32, #tpu.memory_space<vmem_shared>>
      tpu.wait_dma2 semaphore(%run_scoped3A : memref<!tpu.dma_semaphore, #tpu.memory_space<semaphore_mem>>) src(%dma_wait3A_54 : memref<624x128xf32, #tpu.memory_space<vmem_shared>>) dst(%dma_wait3A_52 : memref<624x128xf32, #tpu.memory_space<hbm>>)
      tpu.yield
    }) : () -> ()
    %eq3A = arith.constant 15 : i32
    %eq3A_43 = arith.cmpi eq, %arg1, %eq3A : i32
    %convert_element_type3A = arith.extui %eq3A_43 : i1 to i32
    %cond3A = arith.constant 0 : i32
    %cond3A_44 = arith.cmpi ne, %convert_element_type3A, %cond3A : i32
    scf.if %cond3A_44 {
      "tpu.region"() ({
        %run_scoped3A = tpu.sem_alloc : memref<!tpu.dma_semaphore, #tpu.memory_space<semaphore_mem>>
        %dma_start3A_45 = arith.constant 9984 : i32
        %dma_start3A_46 = arith.constant 0 : i32
        %dma_start3A_47 = tpu.memref_slice %arg6[%arg0, %dma_start3A_45, %dma_start3A_46] : memref<2x10000x128xf32, #tpu.memory_space<hbm>> -> memref<1x16x128xf32, #tpu.memory_space<hbm>>
        %dma_start3A_48 = tpu.memref_squeeze %dma_start3A_47 : memref<1x16x128xf32, #tpu.memory_space<hbm>> -> memref<16x128xf32, #tpu.memory_space<hbm>>
        %dma_start3A_49 = arith.constant 9984 : i32
        %dma_start3A_50 = arith.constant 0 : i32
        %dma_start3A_51 = tpu.memref_slice %arg11[%dma_start3A_49, %dma_start3A_50] : memref<10112x128xf32, #tpu.memory_space<vmem_shared>> -> memref<16x128xf32, #tpu.memory_space<vmem_shared>>
        tpu.enqueue_dma source(%dma_start3A_51 : memref<16x128xf32, #tpu.memory_space<vmem_shared>>) target(%dma_start3A_48 : memref<16x128xf32, #tpu.memory_space<hbm>>) target_semaphore(%run_scoped3A : memref<!tpu.dma_semaphore, #tpu.memory_space<semaphore_mem>>)
        %dma_wait3A_52 = arith.constant 9984 : i32
        %dma_wait3A_53 = arith.constant 0 : i32
        %dma_wait3A_54 = tpu.memref_slice %arg6[%arg0, %dma_wait3A_52, %dma_wait3A_53] : memref<2x10000x128xf32, #tpu.memory_space<hbm>> -> memref<1x16x128xf32, #tpu.memory_space<hbm>>
        %dma_wait3A_55 = tpu.memref_squeeze %dma_wait3A_54 : memref<1x16x128xf32, #tpu.memory_space<hbm>> -> memref<16x128xf32, #tpu.memory_space<hbm>>
        %dma_wait3A_56 = arith.constant 9984 : i32
        %dma_wait3A_57 = arith.constant 0 : i32
        %dma_wait3A_58 = tpu.memref_slice %arg11[%dma_wait3A_56, %dma_wait3A_57] : memref<10112x128xf32, #tpu.memory_space<vmem_shared>> -> memref<16x128xf32, #tpu.memory_space<vmem_shared>>
        tpu.wait_dma2 semaphore(%run_scoped3A : memref<!tpu.dma_semaphore, #tpu.memory_space<semaphore_mem>>) src(%dma_wait3A_58 : memref<16x128xf32, #tpu.memory_space<vmem_shared>>) dst(%dma_wait3A_55 : memref<16x128xf32, #tpu.memory_space<hbm>>)
        tpu.yield
      }) : () -> ()
    } else {
    }
    return
  }
}

#map = affine_map<(d0, d1) -> (0, 0, 0)>
#map1 = affine_map<(d0, d1) -> (0, 0)>
module attributes {stable_mosaic.version = 14 : i64} {
  func.func @_deg_body(%arg0: i32, %arg1: i32, %arg2: memref<16x80x128xi32, #tpu.memory_space<hbm>>, %arg3: memref<632x128xf32, #tpu.memory_space<hbm>>, %arg4: memref<128x128xf32, #tpu.memory_space<hbm>>, %arg5: memref<2x10000x128xf32, #tpu.memory_space<hbm>>, %arg6: memref<80x128xi32, #tpu.memory_space<vmem>>, %arg7: memref<128x128xf32, #tpu.memory_space<vmem>>, %arg8: memref<10112x128xf32, #tpu.memory_space<vmem_shared>>) attributes {dimension_semantics = [#tpu.dimension_semantics<core_parallel>, #tpu.dimension_semantics<subcore_parallel>], iteration_bounds = array<i64: 2, 16>, scalar_prefetch = 0 : i64, scratch_operands = 3 : i64, tpu.core_type = #tpu.core_type<sc_vector_subcore>, window_params = [{transform_indices = #map}, {transform_indices = #map1}, {transform_indices = #map1}, {transform_indices = #map}]} {
    "tpu.region"() ({
      %run_scoped3A = tpu.sem_alloc : memref<!tpu.dma_semaphore, #tpu.memory_space<semaphore_mem>>
      %dma_start3A = arith.constant 0 : i32
      %dma_start3A_21 = arith.constant 0 : i32
      %dma_start3A_22 = tpu.memref_slice %arg2[%arg1, %dma_start3A, %dma_start3A_21] : memref<16x80x128xi32, #tpu.memory_space<hbm>> -> memref<1x80x128xi32, #tpu.memory_space<hbm>>
      %dma_start3A_23 = tpu.memref_squeeze %dma_start3A_22 : memref<1x80x128xi32, #tpu.memory_space<hbm>> -> memref<80x128xi32, #tpu.memory_space<hbm>>
      %dma_start3A_24 = arith.constant 0 : i32
      %dma_start3A_25 = arith.constant 0 : i32
      %dma_start3A_26 = tpu.memref_slice %arg2[%arg1, %dma_start3A_24, %dma_start3A_25] : memref<16x80x128xi32, #tpu.memory_space<hbm>> -> memref<1x80x128xi32, #tpu.memory_space<hbm>>
      %dma_start3A_27 = tpu.memref_squeeze %dma_start3A_26 : memref<1x80x128xi32, #tpu.memory_space<hbm>> -> memref<80x128xi32, #tpu.memory_space<hbm>>
      tpu.enqueue_dma source(%dma_start3A_27 : memref<80x128xi32, #tpu.memory_space<hbm>>) target(%arg6 : memref<80x128xi32, #tpu.memory_space<vmem>>) target_semaphore(%run_scoped3A : memref<!tpu.dma_semaphore, #tpu.memory_space<semaphore_mem>>)
      %dma_wait3A = arith.constant 0 : i32
      %dma_wait3A_28 = arith.constant 0 : i32
      %dma_wait3A_29 = tpu.memref_slice %arg2[%arg1, %dma_wait3A, %dma_wait3A_28] : memref<16x80x128xi32, #tpu.memory_space<hbm>> -> memref<1x80x128xi32, #tpu.memory_space<hbm>>
      %dma_wait3A_30 = tpu.memref_squeeze %dma_wait3A_29 : memref<1x80x128xi32, #tpu.memory_space<hbm>> -> memref<80x128xi32, #tpu.memory_space<hbm>>
      %dma_wait3A_31 = arith.constant 0 : i32
      %dma_wait3A_32 = arith.constant 0 : i32
      %dma_wait3A_33 = tpu.memref_slice %arg2[%arg1, %dma_wait3A_31, %dma_wait3A_32] : memref<16x80x128xi32, #tpu.memory_space<hbm>> -> memref<1x80x128xi32, #tpu.memory_space<hbm>>
      %dma_wait3A_34 = tpu.memref_squeeze %dma_wait3A_33 : memref<1x80x128xi32, #tpu.memory_space<hbm>> -> memref<80x128xi32, #tpu.memory_space<hbm>>
      tpu.wait_dma2 semaphore(%run_scoped3A : memref<!tpu.dma_semaphore, #tpu.memory_space<semaphore_mem>>) src(%dma_wait3A_34 : memref<80x128xi32, #tpu.memory_space<hbm>>) dst(%arg6 : memref<80x128xi32, #tpu.memory_space<vmem>>)
      tpu.yield
    }) : () -> ()
    "tpu.region"() ({
      %run_scoped3A = tpu.sem_alloc : memref<!tpu.dma_semaphore, #tpu.memory_space<semaphore_mem>>
      tpu.enqueue_dma source(%arg4 : memref<128x128xf32, #tpu.memory_space<hbm>>) target(%arg7 : memref<128x128xf32, #tpu.memory_space<vmem>>) target_semaphore(%run_scoped3A : memref<!tpu.dma_semaphore, #tpu.memory_space<semaphore_mem>>)
      tpu.wait_dma2 semaphore(%run_scoped3A : memref<!tpu.dma_semaphore, #tpu.memory_space<semaphore_mem>>) src(%arg4 : memref<128x128xf32, #tpu.memory_space<hbm>>) dst(%arg7 : memref<128x128xf32, #tpu.memory_space<vmem>>)
      tpu.yield
    }) : () -> ()
    %mul3A = arith.constant 632 : i32
    %mul3A_0 = arith.muli %arg1, %mul3A : i32
    "tpu.region"() ({
      %run_scoped3A = tpu.sem_alloc : memref<!tpu.dma_semaphore, #tpu.memory_space<semaphore_mem>>
      %dma_start3A = arith.constant 0 : i32
      %dma_start3A_21 = tpu.memref_slice %arg8[%mul3A_0, %dma_start3A] : memref<10112x128xf32, #tpu.memory_space<vmem_shared>> -> memref<632x128xf32, #tpu.memory_space<vmem_shared>>
      tpu.enqueue_dma source(%arg3 : memref<632x128xf32, #tpu.memory_space<hbm>>) target(%dma_start3A_21 : memref<632x128xf32, #tpu.memory_space<vmem_shared>>) target_semaphore(%run_scoped3A : memref<!tpu.dma_semaphore, #tpu.memory_space<semaphore_mem>>)
      %dma_wait3A = arith.constant 0 : i32
      %dma_wait3A_22 = tpu.memref_slice %arg8[%mul3A_0, %dma_wait3A] : memref<10112x128xf32, #tpu.memory_space<vmem_shared>> -> memref<632x128xf32, #tpu.memory_space<vmem_shared>>
      tpu.wait_dma2 semaphore(%run_scoped3A : memref<!tpu.dma_semaphore, #tpu.memory_space<semaphore_mem>>) src(%arg3 : memref<632x128xf32, #tpu.memory_space<hbm>>) dst(%dma_wait3A_22 : memref<632x128xf32, #tpu.memory_space<vmem_shared>>)
      tpu.yield
    }) : () -> ()
    %barrier3A = arith.constant 0 : index
    tpu.barrier barrier_id(%barrier3A)
    %mul3A_1 = arith.constant 40 : i32
    %mul3A_2 = arith.muli %arg0, %mul3A_1 : i32
    %add3A = arith.constant 1 : i32
    %add3A_3 = arith.addi %arg0, %add3A : i32
    %mul3A_4 = arith.constant 40 : i32
    %mul3A_5 = arith.muli %add3A_3, %mul3A_4 : i32
    %while3A = arith.constant 0 : i32
    %while3A_6 = arith.subi %mul3A_5, %mul3A_2 : i32
    %while3A_7 = arith.addi %mul3A_2, %while3A_6 : i32
    %while3A_8 = arith.constant 1 : i32
    %while3A_9 = arith.divsi %while3A_6, %while3A_8 : i32
    %while3A_10 = arith.muli %while3A_9, %while3A_8 : i32
    %while3A_11 = arith.addi %mul3A_2, %while3A_10 : i32
    %while3A_12 = arith.constant 1 : i32
    scf.for %while3A_21 = %mul3A_2 to %while3A_11 step %while3A_12  : i32 {
      "tpu.region"() ({
        %run_scoped3A = tpu.sem_alloc : memref<!tpu.dma_semaphore, #tpu.memory_space<semaphore_mem>>
        %dma_start3A = arith.constant 0 : i32
        %dma_start3A_22 = tpu.memref_slice %arg6[%while3A_21, %dma_start3A] : memref<80x128xi32, #tpu.memory_space<vmem>> -> memref<1x128xi32, #tpu.memory_space<vmem>>
        %dma_start3A_23 = tpu.memref_squeeze %dma_start3A_22 : memref<1x128xi32, #tpu.memory_space<vmem>> -> memref<128xi32, #tpu.memory_space<vmem>>
        %dma_start3A_24 = arith.constant 0 : i32
        %dma_start3A_25 = arith.constant 0 : i32
        %dma_start3A_26 = tpu.memref_slice %arg8[%dma_start3A_24, %dma_start3A_25] : memref<10112x128xf32, #tpu.memory_space<vmem_shared>> -> memref<10112x128xf32, #tpu.memory_space<vmem_shared>>
        tpu.enqueue_indirect_dma source(%arg7 : memref<128x128xf32, #tpu.memory_space<vmem>>) target(%dma_start3A_26 : memref<10112x128xf32, #tpu.memory_space<vmem_shared>>) offsets(%dma_start3A_23 : memref<128xi32, #tpu.memory_space<vmem>>) semaphore(%run_scoped3A : memref<!tpu.dma_semaphore, #tpu.memory_space<semaphore_mem>>) {add = true}
        %dma_wait3A = arith.constant 0 : i32
        %dma_wait3A_27 = tpu.memref_slice %arg6[%while3A_21, %dma_wait3A] : memref<80x128xi32, #tpu.memory_space<vmem>> -> memref<1x128xi32, #tpu.memory_space<vmem>>
        %dma_wait3A_28 = tpu.memref_squeeze %dma_wait3A_27 : memref<1x128xi32, #tpu.memory_space<vmem>> -> memref<128xi32, #tpu.memory_space<vmem>>
        %dma_wait3A_29 = arith.constant 0 : i32
        %dma_wait3A_30 = arith.constant 0 : i32
        %dma_wait3A_31 = tpu.memref_slice %arg8[%dma_wait3A_29, %dma_wait3A_30] : memref<10112x128xf32, #tpu.memory_space<vmem_shared>> -> memref<10112x128xf32, #tpu.memory_space<vmem_shared>>
        tpu.wait_indirect_dma semaphore(%run_scoped3A : memref<!tpu.dma_semaphore, #tpu.memory_space<semaphore_mem>>) src(%arg7 : memref<128x128xf32, #tpu.memory_space<vmem>>) dst(%dma_wait3A_31 : memref<10112x128xf32, #tpu.memory_space<vmem_shared>>)
        tpu.yield
      }) : () -> ()
    }
    %while3A_13 = arith.constant 1 : i32
    scf.for %while3A_21 = %while3A_11 to %while3A_7 step %while3A_13  : i32 {
      "tpu.region"() ({
        %run_scoped3A = tpu.sem_alloc : memref<!tpu.dma_semaphore, #tpu.memory_space<semaphore_mem>>
        %dma_start3A = arith.constant 0 : i32
        %dma_start3A_22 = tpu.memref_slice %arg6[%while3A_21, %dma_start3A] : memref<80x128xi32, #tpu.memory_space<vmem>> -> memref<1x128xi32, #tpu.memory_space<vmem>>
        %dma_start3A_23 = tpu.memref_squeeze %dma_start3A_22 : memref<1x128xi32, #tpu.memory_space<vmem>> -> memref<128xi32, #tpu.memory_space<vmem>>
        %dma_start3A_24 = arith.constant 0 : i32
        %dma_start3A_25 = arith.constant 0 : i32
        %dma_start3A_26 = tpu.memref_slice %arg8[%dma_start3A_24, %dma_start3A_25] : memref<10112x128xf32, #tpu.memory_space<vmem_shared>> -> memref<10112x128xf32, #tpu.memory_space<vmem_shared>>
        tpu.enqueue_indirect_dma source(%arg7 : memref<128x128xf32, #tpu.memory_space<vmem>>) target(%dma_start3A_26 : memref<10112x128xf32, #tpu.memory_space<vmem_shared>>) offsets(%dma_start3A_23 : memref<128xi32, #tpu.memory_space<vmem>>) semaphore(%run_scoped3A : memref<!tpu.dma_semaphore, #tpu.memory_space<semaphore_mem>>) {add = true}
        %dma_wait3A = arith.constant 0 : i32
        %dma_wait3A_27 = tpu.memref_slice %arg6[%while3A_21, %dma_wait3A] : memref<80x128xi32, #tpu.memory_space<vmem>> -> memref<1x128xi32, #tpu.memory_space<vmem>>
        %dma_wait3A_28 = tpu.memref_squeeze %dma_wait3A_27 : memref<1x128xi32, #tpu.memory_space<vmem>> -> memref<128xi32, #tpu.memory_space<vmem>>
        %dma_wait3A_29 = arith.constant 0 : i32
        %dma_wait3A_30 = arith.constant 0 : i32
        %dma_wait3A_31 = tpu.memref_slice %arg8[%dma_wait3A_29, %dma_wait3A_30] : memref<10112x128xf32, #tpu.memory_space<vmem_shared>> -> memref<10112x128xf32, #tpu.memory_space<vmem_shared>>
        tpu.wait_indirect_dma semaphore(%run_scoped3A : memref<!tpu.dma_semaphore, #tpu.memory_space<semaphore_mem>>) src(%arg7 : memref<128x128xf32, #tpu.memory_space<vmem>>) dst(%dma_wait3A_31 : memref<10112x128xf32, #tpu.memory_space<vmem_shared>>)
        tpu.yield
      }) : () -> ()
    }
    %barrier3A_14 = arith.constant 0 : index
    tpu.barrier barrier_id(%barrier3A_14)
    %mul3A_15 = arith.constant 624 : i32
    %mul3A_16 = arith.muli %arg1, %mul3A_15 : i32
    %mul3A_17 = arith.constant 624 : i32
    %mul3A_18 = arith.muli %arg1, %mul3A_17 : i32
    "tpu.region"() ({
      %run_scoped3A = tpu.sem_alloc : memref<!tpu.dma_semaphore, #tpu.memory_space<semaphore_mem>>
      %dma_start3A = arith.constant 0 : i32
      %dma_start3A_21 = tpu.memref_slice %arg5[%arg0, %mul3A_18, %dma_start3A] : memref<2x10000x128xf32, #tpu.memory_space<hbm>> -> memref<1x624x128xf32, #tpu.memory_space<hbm>>
      %dma_start3A_22 = tpu.memref_squeeze %dma_start3A_21 : memref<1x624x128xf32, #tpu.memory_space<hbm>> -> memref<624x128xf32, #tpu.memory_space<hbm>>
      %dma_start3A_23 = arith.constant 0 : i32
      %dma_start3A_24 = tpu.memref_slice %arg8[%mul3A_16, %dma_start3A_23] : memref<10112x128xf32, #tpu.memory_space<vmem_shared>> -> memref<624x128xf32, #tpu.memory_space<vmem_shared>>
      tpu.enqueue_dma source(%dma_start3A_24 : memref<624x128xf32, #tpu.memory_space<vmem_shared>>) target(%dma_start3A_22 : memref<624x128xf32, #tpu.memory_space<hbm>>) target_semaphore(%run_scoped3A : memref<!tpu.dma_semaphore, #tpu.memory_space<semaphore_mem>>)
      %dma_wait3A = arith.constant 0 : i32
      %dma_wait3A_25 = tpu.memref_slice %arg5[%arg0, %mul3A_18, %dma_wait3A] : memref<2x10000x128xf32, #tpu.memory_space<hbm>> -> memref<1x624x128xf32, #tpu.memory_space<hbm>>
      %dma_wait3A_26 = tpu.memref_squeeze %dma_wait3A_25 : memref<1x624x128xf32, #tpu.memory_space<hbm>> -> memref<624x128xf32, #tpu.memory_space<hbm>>
      %dma_wait3A_27 = arith.constant 0 : i32
      %dma_wait3A_28 = tpu.memref_slice %arg8[%mul3A_16, %dma_wait3A_27] : memref<10112x128xf32, #tpu.memory_space<vmem_shared>> -> memref<624x128xf32, #tpu.memory_space<vmem_shared>>
      tpu.wait_dma2 semaphore(%run_scoped3A : memref<!tpu.dma_semaphore, #tpu.memory_space<semaphore_mem>>) src(%dma_wait3A_28 : memref<624x128xf32, #tpu.memory_space<vmem_shared>>) dst(%dma_wait3A_26 : memref<624x128xf32, #tpu.memory_space<hbm>>)
      tpu.yield
    }) : () -> ()
    %eq3A = arith.constant 15 : i32
    %eq3A_19 = arith.cmpi eq, %arg1, %eq3A : i32
    %convert_element_type3A = arith.extui %eq3A_19 : i1 to i32
    %cond3A = arith.constant 0 : i32
    %cond3A_20 = arith.cmpi ne, %convert_element_type3A, %cond3A : i32
    scf.if %cond3A_20 {
      "tpu.region"() ({
        %run_scoped3A = tpu.sem_alloc : memref<!tpu.dma_semaphore, #tpu.memory_space<semaphore_mem>>
        %dma_start3A = arith.constant 9984 : i32
        %dma_start3A_21 = arith.constant 0 : i32
        %dma_start3A_22 = tpu.memref_slice %arg5[%arg0, %dma_start3A, %dma_start3A_21] : memref<2x10000x128xf32, #tpu.memory_space<hbm>> -> memref<1x16x128xf32, #tpu.memory_space<hbm>>
        %dma_start3A_23 = tpu.memref_squeeze %dma_start3A_22 : memref<1x16x128xf32, #tpu.memory_space<hbm>> -> memref<16x128xf32, #tpu.memory_space<hbm>>
        %dma_start3A_24 = arith.constant 9984 : i32
        %dma_start3A_25 = arith.constant 0 : i32
        %dma_start3A_26 = tpu.memref_slice %arg8[%dma_start3A_24, %dma_start3A_25] : memref<10112x128xf32, #tpu.memory_space<vmem_shared>> -> memref<16x128xf32, #tpu.memory_space<vmem_shared>>
        tpu.enqueue_dma source(%dma_start3A_26 : memref<16x128xf32, #tpu.memory_space<vmem_shared>>) target(%dma_start3A_23 : memref<16x128xf32, #tpu.memory_space<hbm>>) target_semaphore(%run_scoped3A : memref<!tpu.dma_semaphore, #tpu.memory_space<semaphore_mem>>)
        %dma_wait3A = arith.constant 9984 : i32
        %dma_wait3A_27 = arith.constant 0 : i32
        %dma_wait3A_28 = tpu.memref_slice %arg5[%arg0, %dma_wait3A, %dma_wait3A_27] : memref<2x10000x128xf32, #tpu.memory_space<hbm>> -> memref<1x16x128xf32, #tpu.memory_space<hbm>>
        %dma_wait3A_29 = tpu.memref_squeeze %dma_wait3A_28 : memref<1x16x128xf32, #tpu.memory_space<hbm>> -> memref<16x128xf32, #tpu.memory_space<hbm>>
        %dma_wait3A_30 = arith.constant 9984 : i32
        %dma_wait3A_31 = arith.constant 0 : i32
        %dma_wait3A_32 = tpu.memref_slice %arg8[%dma_wait3A_30, %dma_wait3A_31] : memref<10112x128xf32, #tpu.memory_space<vmem_shared>> -> memref<16x128xf32, #tpu.memory_space<vmem_shared>>
        tpu.wait_dma2 semaphore(%run_scoped3A : memref<!tpu.dma_semaphore, #tpu.memory_space<semaphore_mem>>) src(%dma_wait3A_32 : memref<16x128xf32, #tpu.memory_space<vmem_shared>>) dst(%dma_wait3A_29 : memref<16x128xf32, #tpu.memory_space<hbm>>)
        tpu.yield
      }) : () -> ()
    } else {
    }
    return
  }
}

#map = affine_map<(d0, d1) -> (0, 0)>
#map1 = affine_map<(d0, d1) -> (0, 0, 0, 0)>
#map2 = affine_map<(d0, d1) -> (0, 0, 0)>
module attributes {stable_mosaic.version = 14 : i64} {
  func.func @_agg_body(%arg0: i32, %arg1: i32, %arg2: memref<20000x128xf32, #tpu.memory_space<hbm>>, %arg3: memref<2x16x80x128xi32, #tpu.memory_space<hbm>>, %arg4: memref<16x80x128xi32, #tpu.memory_space<hbm>>, %arg5: memref<632x128xf32, #tpu.memory_space<hbm>>, %arg6: memref<2x10000x128xf32, #tpu.memory_space<hbm>>, %arg7: memref<40x128xi32, #tpu.memory_space<vmem>>, %arg8: memref<40x128xi32, #tpu.memory_space<vmem>>, %arg9: memref<128x128xf32, #tpu.memory_space<vmem>>, %arg10: memref<128x128xf32, #tpu.memory_space<vmem>>, %arg11: memref<10112x128xf32, #tpu.memory_space<vmem_shared>>, %arg12: memref<!tpu.dma_semaphore, #tpu.memory_space<semaphore_mem>>, %arg13: memref<!tpu.dma_semaphore, #tpu.memory_space<semaphore_mem>>, %arg14: memref<!tpu.dma_semaphore, #tpu.memory_space<semaphore_mem>>, %arg15: memref<!tpu.dma_semaphore, #tpu.memory_space<semaphore_mem>>) attributes {dimension_semantics = [#tpu.dimension_semantics<core_parallel>, #tpu.dimension_semantics<subcore_parallel>], iteration_bounds = array<i64: 2, 16>, scalar_prefetch = 0 : i64, scratch_operands = 9 : i64, tpu.core_type = #tpu.core_type<sc_vector_subcore>, window_params = [{transform_indices = #map}, {transform_indices = #map1}, {transform_indices = #map2}, {transform_indices = #map}, {transform_indices = #map2}]} {
    %mul3A = arith.constant 632 : i32
    %mul3A_0 = arith.muli %arg1, %mul3A : i32
    "tpu.region"() ({
      %run_scoped3A = tpu.sem_alloc : memref<!tpu.dma_semaphore, #tpu.memory_space<semaphore_mem>>
      %dma_start3A_45 = arith.constant 0 : i32
      %dma_start3A_46 = tpu.memref_slice %arg11[%mul3A_0, %dma_start3A_45] : memref<10112x128xf32, #tpu.memory_space<vmem_shared>> -> memref<632x128xf32, #tpu.memory_space<vmem_shared>>
      tpu.enqueue_dma source(%arg5 : memref<632x128xf32, #tpu.memory_space<hbm>>) target(%dma_start3A_46 : memref<632x128xf32, #tpu.memory_space<vmem_shared>>) target_semaphore(%run_scoped3A : memref<!tpu.dma_semaphore, #tpu.memory_space<semaphore_mem>>)
      %dma_wait3A_47 = arith.constant 0 : i32
      %dma_wait3A_48 = tpu.memref_slice %arg11[%mul3A_0, %dma_wait3A_47] : memref<10112x128xf32, #tpu.memory_space<vmem_shared>> -> memref<632x128xf32, #tpu.memory_space<vmem_shared>>
      tpu.wait_dma2 semaphore(%run_scoped3A : memref<!tpu.dma_semaphore, #tpu.memory_space<semaphore_mem>>) src(%arg5 : memref<632x128xf32, #tpu.memory_space<hbm>>) dst(%dma_wait3A_48 : memref<632x128xf32, #tpu.memory_space<vmem_shared>>)
      tpu.yield
    }) : () -> ()
    %barrier3A = arith.constant 0 : index
    tpu.barrier barrier_id(%barrier3A)
    "tpu.region"() ({
      %run_scoped3A = tpu.sem_alloc : memref<!tpu.dma_semaphore, #tpu.memory_space<semaphore_mem>>
      %dma_start3A_45 = arith.constant 0 : i32
      %dma_start3A_46 = arith.constant 0 : i32
      %dma_start3A_47 = tpu.memref_slice %arg3[%arg0, %arg1, %dma_start3A_45, %dma_start3A_46] : memref<2x16x80x128xi32, #tpu.memory_space<hbm>> -> memref<1x1x40x128xi32, #tpu.memory_space<hbm>>
      %dma_start3A_48 = tpu.memref_squeeze %dma_start3A_47 : memref<1x1x40x128xi32, #tpu.memory_space<hbm>> -> memref<40x128xi32, #tpu.memory_space<hbm>>
      %dma_start3A_49 = arith.constant 0 : i32
      %dma_start3A_50 = arith.constant 0 : i32
      %dma_start3A_51 = tpu.memref_slice %arg3[%arg0, %arg1, %dma_start3A_49, %dma_start3A_50] : memref<2x16x80x128xi32, #tpu.memory_space<hbm>> -> memref<1x1x40x128xi32, #tpu.memory_space<hbm>>
      %dma_start3A_52 = tpu.memref_squeeze %dma_start3A_51 : memref<1x1x40x128xi32, #tpu.memory_space<hbm>> -> memref<40x128xi32, #tpu.memory_space<hbm>>
      tpu.enqueue_dma source(%dma_start3A_52 : memref<40x128xi32, #tpu.memory_space<hbm>>) target(%arg7 : memref<40x128xi32, #tpu.memory_space<vmem>>) target_semaphore(%run_scoped3A : memref<!tpu.dma_semaphore, #tpu.memory_space<semaphore_mem>>)
      %dma_wait3A_53 = arith.constant 0 : i32
      %dma_wait3A_54 = arith.constant 0 : i32
      %dma_wait3A_55 = tpu.memref_slice %arg3[%arg0, %arg1, %dma_wait3A_53, %dma_wait3A_54] : memref<2x16x80x128xi32, #tpu.memory_space<hbm>> -> memref<1x1x40x128xi32, #tpu.memory_space<hbm>>
      %dma_wait3A_56 = tpu.memref_squeeze %dma_wait3A_55 : memref<1x1x40x128xi32, #tpu.memory_space<hbm>> -> memref<40x128xi32, #tpu.memory_space<hbm>>
      %dma_wait3A_57 = arith.constant 0 : i32
      %dma_wait3A_58 = arith.constant 0 : i32
      %dma_wait3A_59 = tpu.memref_slice %arg3[%arg0, %arg1, %dma_wait3A_57, %dma_wait3A_58] : memref<2x16x80x128xi32, #tpu.memory_space<hbm>> -> memref<1x1x40x128xi32, #tpu.memory_space<hbm>>
      %dma_wait3A_60 = tpu.memref_squeeze %dma_wait3A_59 : memref<1x1x40x128xi32, #tpu.memory_space<hbm>> -> memref<40x128xi32, #tpu.memory_space<hbm>>
      tpu.wait_dma2 semaphore(%run_scoped3A : memref<!tpu.dma_semaphore, #tpu.memory_space<semaphore_mem>>) src(%dma_wait3A_60 : memref<40x128xi32, #tpu.memory_space<hbm>>) dst(%arg7 : memref<40x128xi32, #tpu.memory_space<vmem>>)
      tpu.yield
    }) : () -> ()
    "tpu.region"() ({
      %run_scoped3A = tpu.sem_alloc : memref<!tpu.dma_semaphore, #tpu.memory_space<semaphore_mem>>
      %dma_start3A_45 = arith.constant 0 : i32
      %dma_start3A_46 = arith.constant 0 : i32
      %dma_start3A_47 = tpu.memref_slice %arg4[%arg1, %dma_start3A_45, %dma_start3A_46] : memref<16x80x128xi32, #tpu.memory_space<hbm>> -> memref<1x40x128xi32, #tpu.memory_space<hbm>>
      %dma_start3A_48 = tpu.memref_squeeze %dma_start3A_47 : memref<1x40x128xi32, #tpu.memory_space<hbm>> -> memref<40x128xi32, #tpu.memory_space<hbm>>
      %dma_start3A_49 = arith.constant 0 : i32
      %dma_start3A_50 = arith.constant 0 : i32
      %dma_start3A_51 = tpu.memref_slice %arg4[%arg1, %dma_start3A_49, %dma_start3A_50] : memref<16x80x128xi32, #tpu.memory_space<hbm>> -> memref<1x40x128xi32, #tpu.memory_space<hbm>>
      %dma_start3A_52 = tpu.memref_squeeze %dma_start3A_51 : memref<1x40x128xi32, #tpu.memory_space<hbm>> -> memref<40x128xi32, #tpu.memory_space<hbm>>
      tpu.enqueue_dma source(%dma_start3A_52 : memref<40x128xi32, #tpu.memory_space<hbm>>) target(%arg8 : memref<40x128xi32, #tpu.memory_space<vmem>>) target_semaphore(%run_scoped3A : memref<!tpu.dma_semaphore, #tpu.memory_space<semaphore_mem>>)
      %dma_wait3A_53 = arith.constant 0 : i32
      %dma_wait3A_54 = arith.constant 0 : i32
      %dma_wait3A_55 = tpu.memref_slice %arg4[%arg1, %dma_wait3A_53, %dma_wait3A_54] : memref<16x80x128xi32, #tpu.memory_space<hbm>> -> memref<1x40x128xi32, #tpu.memory_space<hbm>>
      %dma_wait3A_56 = tpu.memref_squeeze %dma_wait3A_55 : memref<1x40x128xi32, #tpu.memory_space<hbm>> -> memref<40x128xi32, #tpu.memory_space<hbm>>
      %dma_wait3A_57 = arith.constant 0 : i32
      %dma_wait3A_58 = arith.constant 0 : i32
      %dma_wait3A_59 = tpu.memref_slice %arg4[%arg1, %dma_wait3A_57, %dma_wait3A_58] : memref<16x80x128xi32, #tpu.memory_space<hbm>> -> memref<1x40x128xi32, #tpu.memory_space<hbm>>
      %dma_wait3A_60 = tpu.memref_squeeze %dma_wait3A_59 : memref<1x40x128xi32, #tpu.memory_space<hbm>> -> memref<40x128xi32, #tpu.memory_space<hbm>>
      tpu.wait_dma2 semaphore(%run_scoped3A : memref<!tpu.dma_semaphore, #tpu.memory_space<semaphore_mem>>) src(%dma_wait3A_60 : memref<40x128xi32, #tpu.memory_space<hbm>>) dst(%arg8 : memref<40x128xi32, #tpu.memory_space<vmem>>)
      tpu.yield
    }) : () -> ()
    %dma_start3A = arith.constant 0 : i32
    %dma_start3A_1 = arith.constant 0 : i32
    %dma_start3A_2 = tpu.memref_slice %arg7[%dma_start3A, %dma_start3A_1] : memref<40x128xi32, #tpu.memory_space<vmem>> -> memref<1x128xi32, #tpu.memory_space<vmem>>
    %dma_start3A_3 = tpu.memref_squeeze %dma_start3A_2 : memref<1x128xi32, #tpu.memory_space<vmem>> -> memref<128xi32, #tpu.memory_space<vmem>>
    %dma_start3A_4 = arith.constant 0 : i32
    %dma_start3A_5 = arith.constant 0 : i32
    %dma_start3A_6 = tpu.memref_slice %arg2[%dma_start3A_4, %dma_start3A_5] : memref<20000x128xf32, #tpu.memory_space<hbm>> -> memref<20000x128xf32, #tpu.memory_space<hbm>>
    tpu.enqueue_indirect_dma source(%dma_start3A_6 : memref<20000x128xf32, #tpu.memory_space<hbm>>) target(%arg9 : memref<128x128xf32, #tpu.memory_space<vmem>>) offsets(%dma_start3A_3 : memref<128xi32, #tpu.memory_space<vmem>>) semaphore(%arg12 : memref<!tpu.dma_semaphore, #tpu.memory_space<semaphore_mem>>)
    %scan3A = arith.constant 0 : i32
    %scan3A_7 = arith.constant 0 : i32
    %scan3A_8 = arith.constant 20 : i32
    %scan3A_9 = arith.addi %scan3A_7, %scan3A_8 : i32
    %scan3A_10 = arith.constant 1 : i32
    scf.for %scan3A_45 = %scan3A_7 to %scan3A_9 step %scan3A_10  : i32 {
      %mul3A_46 = arith.constant 2 : i32
      %mul3A_47 = arith.muli %mul3A_46, %scan3A_45 : i32
      %mul3A_48 = arith.constant 2 : i32
      %mul3A_49 = arith.muli %mul3A_48, %scan3A_45 : i32
      %add3A = arith.constant 1 : i32
      %add3A_50 = arith.addi %mul3A_49, %add3A : i32
      %dma_wait3A_51 = arith.constant 0 : i32
      %dma_wait3A_52 = tpu.memref_slice %arg7[%mul3A_47, %dma_wait3A_51] : memref<40x128xi32, #tpu.memory_space<vmem>> -> memref<1x128xi32, #tpu.memory_space<vmem>>
      %dma_wait3A_53 = tpu.memref_squeeze %dma_wait3A_52 : memref<1x128xi32, #tpu.memory_space<vmem>> -> memref<128xi32, #tpu.memory_space<vmem>>
      %dma_wait3A_54 = arith.constant 0 : i32
      %dma_wait3A_55 = arith.constant 0 : i32
      %dma_wait3A_56 = tpu.memref_slice %arg2[%dma_wait3A_54, %dma_wait3A_55] : memref<20000x128xf32, #tpu.memory_space<hbm>> -> memref<20000x128xf32, #tpu.memory_space<hbm>>
      tpu.wait_indirect_dma semaphore(%arg12 : memref<!tpu.dma_semaphore, #tpu.memory_space<semaphore_mem>>) src(%dma_wait3A_56 : memref<20000x128xf32, #tpu.memory_space<hbm>>) dst(%arg9 : memref<128x128xf32, #tpu.memory_space<vmem>>)
      %dma_start3A_57 = arith.constant 0 : i32
      %dma_start3A_58 = tpu.memref_slice %arg8[%mul3A_47, %dma_start3A_57] : memref<40x128xi32, #tpu.memory_space<vmem>> -> memref<1x128xi32, #tpu.memory_space<vmem>>
      %dma_start3A_59 = tpu.memref_squeeze %dma_start3A_58 : memref<1x128xi32, #tpu.memory_space<vmem>> -> memref<128xi32, #tpu.memory_space<vmem>>
      %dma_start3A_60 = arith.constant 0 : i32
      %dma_start3A_61 = arith.constant 0 : i32
      %dma_start3A_62 = tpu.memref_slice %arg11[%dma_start3A_60, %dma_start3A_61] : memref<10112x128xf32, #tpu.memory_space<vmem_shared>> -> memref<10112x128xf32, #tpu.memory_space<vmem_shared>>
      tpu.enqueue_indirect_dma source(%arg9 : memref<128x128xf32, #tpu.memory_space<vmem>>) target(%dma_start3A_62 : memref<10112x128xf32, #tpu.memory_space<vmem_shared>>) offsets(%dma_start3A_59 : memref<128xi32, #tpu.memory_space<vmem>>) semaphore(%arg14 : memref<!tpu.dma_semaphore, #tpu.memory_space<semaphore_mem>>) {add = true}
      %gt3A = arith.constant 0 : i32
      %gt3A_63 = arith.cmpi sgt, %scan3A_45, %gt3A : i32
      %convert_element_type3A_64 = arith.extui %gt3A_63 : i1 to i32
      %cond3A_65 = arith.constant 0 : i32
      %cond3A_66 = arith.cmpi ne, %convert_element_type3A_64, %cond3A_65 : i32
      scf.if %cond3A_66 {
        %sub3A = arith.constant 2 : i32
        %sub3A_95 = arith.subi %add3A_50, %sub3A : i32
        %dma_wait3A_96 = arith.constant 0 : i32
        %dma_wait3A_97 = tpu.memref_slice %arg8[%sub3A_95, %dma_wait3A_96] : memref<40x128xi32, #tpu.memory_space<vmem>> -> memref<1x128xi32, #tpu.memory_space<vmem>>
        %dma_wait3A_98 = tpu.memref_squeeze %dma_wait3A_97 : memref<1x128xi32, #tpu.memory_space<vmem>> -> memref<128xi32, #tpu.memory_space<vmem>>
        %dma_wait3A_99 = arith.constant 0 : i32
        %dma_wait3A_100 = arith.constant 0 : i32
        %dma_wait3A_101 = tpu.memref_slice %arg11[%dma_wait3A_99, %dma_wait3A_100] : memref<10112x128xf32, #tpu.memory_space<vmem_shared>> -> memref<10112x128xf32, #tpu.memory_space<vmem_shared>>
        tpu.wait_indirect_dma semaphore(%arg15 : memref<!tpu.dma_semaphore, #tpu.memory_space<semaphore_mem>>) src(%arg10 : memref<128x128xf32, #tpu.memory_space<vmem>>) dst(%dma_wait3A_101 : memref<10112x128xf32, #tpu.memory_space<vmem_shared>>)
      } else {
      }
      %dma_start3A_67 = arith.constant 0 : i32
      %dma_start3A_68 = tpu.memref_slice %arg7[%add3A_50, %dma_start3A_67] : memref<40x128xi32, #tpu.memory_space<vmem>> -> memref<1x128xi32, #tpu.memory_space<vmem>>
      %dma_start3A_69 = tpu.memref_squeeze %dma_start3A_68 : memref<1x128xi32, #tpu.memory_space<vmem>> -> memref<128xi32, #tpu.memory_space<vmem>>
      %dma_start3A_70 = arith.constant 0 : i32
      %dma_start3A_71 = arith.constant 0 : i32
      %dma_start3A_72 = tpu.memref_slice %arg2[%dma_start3A_70, %dma_start3A_71] : memref<20000x128xf32, #tpu.memory_space<hbm>> -> memref<20000x128xf32, #tpu.memory_space<hbm>>
      tpu.enqueue_indirect_dma source(%dma_start3A_72 : memref<20000x128xf32, #tpu.memory_space<hbm>>) target(%arg10 : memref<128x128xf32, #tpu.memory_space<vmem>>) offsets(%dma_start3A_69 : memref<128xi32, #tpu.memory_space<vmem>>) semaphore(%arg13 : memref<!tpu.dma_semaphore, #tpu.memory_space<semaphore_mem>>)
      %dma_wait3A_73 = arith.constant 0 : i32
      %dma_wait3A_74 = tpu.memref_slice %arg7[%add3A_50, %dma_wait3A_73] : memref<40x128xi32, #tpu.memory_space<vmem>> -> memref<1x128xi32, #tpu.memory_space<vmem>>
      %dma_wait3A_75 = tpu.memref_squeeze %dma_wait3A_74 : memref<1x128xi32, #tpu.memory_space<vmem>> -> memref<128xi32, #tpu.memory_space<vmem>>
      %dma_wait3A_76 = arith.constant 0 : i32
      %dma_wait3A_77 = arith.constant 0 : i32
      %dma_wait3A_78 = tpu.memref_slice %arg2[%dma_wait3A_76, %dma_wait3A_77] : memref<20000x128xf32, #tpu.memory_space<hbm>> -> memref<20000x128xf32, #tpu.memory_space<hbm>>
      tpu.wait_indirect_dma semaphore(%arg13 : memref<!tpu.dma_semaphore, #tpu.memory_space<semaphore_mem>>) src(%dma_wait3A_78 : memref<20000x128xf32, #tpu.memory_space<hbm>>) dst(%arg10 : memref<128x128xf32, #tpu.memory_space<vmem>>)
      %dma_start3A_79 = arith.constant 0 : i32
      %dma_start3A_80 = tpu.memref_slice %arg8[%add3A_50, %dma_start3A_79] : memref<40x128xi32, #tpu.memory_space<vmem>> -> memref<1x128xi32, #tpu.memory_space<vmem>>
      %dma_start3A_81 = tpu.memref_squeeze %dma_start3A_80 : memref<1x128xi32, #tpu.memory_space<vmem>> -> memref<128xi32, #tpu.memory_space<vmem>>
      %dma_start3A_82 = arith.constant 0 : i32
      %dma_start3A_83 = arith.constant 0 : i32
      %dma_start3A_84 = tpu.memref_slice %arg11[%dma_start3A_82, %dma_start3A_83] : memref<10112x128xf32, #tpu.memory_space<vmem_shared>> -> memref<10112x128xf32, #tpu.memory_space<vmem_shared>>
      tpu.enqueue_indirect_dma source(%arg10 : memref<128x128xf32, #tpu.memory_space<vmem>>) target(%dma_start3A_84 : memref<10112x128xf32, #tpu.memory_space<vmem_shared>>) offsets(%dma_start3A_81 : memref<128xi32, #tpu.memory_space<vmem>>) semaphore(%arg15 : memref<!tpu.dma_semaphore, #tpu.memory_space<semaphore_mem>>) {add = true}
      %dma_wait3A_85 = arith.constant 0 : i32
      %dma_wait3A_86 = tpu.memref_slice %arg8[%mul3A_47, %dma_wait3A_85] : memref<40x128xi32, #tpu.memory_space<vmem>> -> memref<1x128xi32, #tpu.memory_space<vmem>>
      %dma_wait3A_87 = tpu.memref_squeeze %dma_wait3A_86 : memref<1x128xi32, #tpu.memory_space<vmem>> -> memref<128xi32, #tpu.memory_space<vmem>>
      %dma_wait3A_88 = arith.constant 0 : i32
      %dma_wait3A_89 = arith.constant 0 : i32
      %dma_wait3A_90 = tpu.memref_slice %arg11[%dma_wait3A_88, %dma_wait3A_89] : memref<10112x128xf32, #tpu.memory_space<vmem_shared>> -> memref<10112x128xf32, #tpu.memory_space<vmem_shared>>
      tpu.wait_indirect_dma semaphore(%arg14 : memref<!tpu.dma_semaphore, #tpu.memory_space<semaphore_mem>>) src(%arg9 : memref<128x128xf32, #tpu.memory_space<vmem>>) dst(%dma_wait3A_90 : memref<10112x128xf32, #tpu.memory_space<vmem_shared>>)
      %lt3A = arith.constant 19 : i32
      %lt3A_91 = arith.cmpi slt, %scan3A_45, %lt3A : i32
      %convert_element_type3A_92 = arith.extui %lt3A_91 : i1 to i32
      %cond3A_93 = arith.constant 0 : i32
      %cond3A_94 = arith.cmpi ne, %convert_element_type3A_92, %cond3A_93 : i32
      scf.if %cond3A_94 {
        %add3A_95 = arith.constant 2 : i32
        %add3A_96 = arith.addi %mul3A_47, %add3A_95 : i32
        %dma_start3A_97 = arith.constant 0 : i32
        %dma_start3A_98 = tpu.memref_slice %arg7[%add3A_96, %dma_start3A_97] : memref<40x128xi32, #tpu.memory_space<vmem>> -> memref<1x128xi32, #tpu.memory_space<vmem>>
        %dma_start3A_99 = tpu.memref_squeeze %dma_start3A_98 : memref<1x128xi32, #tpu.memory_space<vmem>> -> memref<128xi32, #tpu.memory_space<vmem>>
        %dma_start3A_100 = arith.constant 0 : i32
        %dma_start3A_101 = arith.constant 0 : i32
        %dma_start3A_102 = tpu.memref_slice %arg2[%dma_start3A_100, %dma_start3A_101] : memref<20000x128xf32, #tpu.memory_space<hbm>> -> memref<20000x128xf32, #tpu.memory_space<hbm>>
        tpu.enqueue_indirect_dma source(%dma_start3A_102 : memref<20000x128xf32, #tpu.memory_space<hbm>>) target(%arg9 : memref<128x128xf32, #tpu.memory_space<vmem>>) offsets(%dma_start3A_99 : memref<128xi32, #tpu.memory_space<vmem>>) semaphore(%arg12 : memref<!tpu.dma_semaphore, #tpu.memory_space<semaphore_mem>>)
      } else {
      }
    }
    %scan3A_11 = arith.constant 20 : i32
    %dma_wait3A = arith.constant 39 : i32
    %dma_wait3A_12 = arith.constant 0 : i32
    %dma_wait3A_13 = tpu.memref_slice %arg8[%dma_wait3A, %dma_wait3A_12] : memref<40x128xi32, #tpu.memory_space<vmem>> -> memref<1x128xi32, #tpu.memory_space<vmem>>
    %dma_wait3A_14 = tpu.memref_squeeze %dma_wait3A_13 : memref<1x128xi32, #tpu.memory_space<vmem>> -> memref<128xi32, #tpu.memory_space<vmem>>
    %dma_wait3A_15 = arith.constant 0 : i32
    %dma_wait3A_16 = arith.constant 0 : i32
    %dma_wait3A_17 = tpu.memref_slice %arg11[%dma_wait3A_15, %dma_wait3A_16] : memref<10112x128xf32, #tpu.memory_space<vmem_shared>> -> memref<10112x128xf32, #tpu.memory_space<vmem_shared>>
    tpu.wait_indirect_dma semaphore(%arg15 : memref<!tpu.dma_semaphore, #tpu.memory_space<semaphore_mem>>) src(%arg10 : memref<128x128xf32, #tpu.memory_space<vmem>>) dst(%dma_wait3A_17 : memref<10112x128xf32, #tpu.memory_space<vmem_shared>>)
    "tpu.region"() ({
      %run_scoped3A = tpu.sem_alloc : memref<!tpu.dma_semaphore, #tpu.memory_space<semaphore_mem>>
      %dma_start3A_45 = arith.constant 40 : i32
      %dma_start3A_46 = arith.constant 0 : i32
      %dma_start3A_47 = tpu.memref_slice %arg3[%arg0, %arg1, %dma_start3A_45, %dma_start3A_46] : memref<2x16x80x128xi32, #tpu.memory_space<hbm>> -> memref<1x1x40x128xi32, #tpu.memory_space<hbm>>
      %dma_start3A_48 = tpu.memref_squeeze %dma_start3A_47 : memref<1x1x40x128xi32, #tpu.memory_space<hbm>> -> memref<40x128xi32, #tpu.memory_space<hbm>>
      %dma_start3A_49 = arith.constant 40 : i32
      %dma_start3A_50 = arith.constant 0 : i32
      %dma_start3A_51 = tpu.memref_slice %arg3[%arg0, %arg1, %dma_start3A_49, %dma_start3A_50] : memref<2x16x80x128xi32, #tpu.memory_space<hbm>> -> memref<1x1x40x128xi32, #tpu.memory_space<hbm>>
      %dma_start3A_52 = tpu.memref_squeeze %dma_start3A_51 : memref<1x1x40x128xi32, #tpu.memory_space<hbm>> -> memref<40x128xi32, #tpu.memory_space<hbm>>
      tpu.enqueue_dma source(%dma_start3A_52 : memref<40x128xi32, #tpu.memory_space<hbm>>) target(%arg7 : memref<40x128xi32, #tpu.memory_space<vmem>>) target_semaphore(%run_scoped3A : memref<!tpu.dma_semaphore, #tpu.memory_space<semaphore_mem>>)
      %dma_wait3A_53 = arith.constant 40 : i32
      %dma_wait3A_54 = arith.constant 0 : i32
      %dma_wait3A_55 = tpu.memref_slice %arg3[%arg0, %arg1, %dma_wait3A_53, %dma_wait3A_54] : memref<2x16x80x128xi32, #tpu.memory_space<hbm>> -> memref<1x1x40x128xi32, #tpu.memory_space<hbm>>
      %dma_wait3A_56 = tpu.memref_squeeze %dma_wait3A_55 : memref<1x1x40x128xi32, #tpu.memory_space<hbm>> -> memref<40x128xi32, #tpu.memory_space<hbm>>
      %dma_wait3A_57 = arith.constant 40 : i32
      %dma_wait3A_58 = arith.constant 0 : i32
      %dma_wait3A_59 = tpu.memref_slice %arg3[%arg0, %arg1, %dma_wait3A_57, %dma_wait3A_58] : memref<2x16x80x128xi32, #tpu.memory_space<hbm>> -> memref<1x1x40x128xi32, #tpu.memory_space<hbm>>
      %dma_wait3A_60 = tpu.memref_squeeze %dma_wait3A_59 : memref<1x1x40x128xi32, #tpu.memory_space<hbm>> -> memref<40x128xi32, #tpu.memory_space<hbm>>
      tpu.wait_dma2 semaphore(%run_scoped3A : memref<!tpu.dma_semaphore, #tpu.memory_space<semaphore_mem>>) src(%dma_wait3A_60 : memref<40x128xi32, #tpu.memory_space<hbm>>) dst(%arg7 : memref<40x128xi32, #tpu.memory_space<vmem>>)
      tpu.yield
    }) : () -> ()
    "tpu.region"() ({
      %run_scoped3A = tpu.sem_alloc : memref<!tpu.dma_semaphore, #tpu.memory_space<semaphore_mem>>
      %dma_start3A_45 = arith.constant 40 : i32
      %dma_start3A_46 = arith.constant 0 : i32
      %dma_start3A_47 = tpu.memref_slice %arg4[%arg1, %dma_start3A_45, %dma_start3A_46] : memref<16x80x128xi32, #tpu.memory_space<hbm>> -> memref<1x40x128xi32, #tpu.memory_space<hbm>>
      %dma_start3A_48 = tpu.memref_squeeze %dma_start3A_47 : memref<1x40x128xi32, #tpu.memory_space<hbm>> -> memref<40x128xi32, #tpu.memory_space<hbm>>
      %dma_start3A_49 = arith.constant 40 : i32
      %dma_start3A_50 = arith.constant 0 : i32
      %dma_start3A_51 = tpu.memref_slice %arg4[%arg1, %dma_start3A_49, %dma_start3A_50] : memref<16x80x128xi32, #tpu.memory_space<hbm>> -> memref<1x40x128xi32, #tpu.memory_space<hbm>>
      %dma_start3A_52 = tpu.memref_squeeze %dma_start3A_51 : memref<1x40x128xi32, #tpu.memory_space<hbm>> -> memref<40x128xi32, #tpu.memory_space<hbm>>
      tpu.enqueue_dma source(%dma_start3A_52 : memref<40x128xi32, #tpu.memory_space<hbm>>) target(%arg8 : memref<40x128xi32, #tpu.memory_space<vmem>>) target_semaphore(%run_scoped3A : memref<!tpu.dma_semaphore, #tpu.memory_space<semaphore_mem>>)
      %dma_wait3A_53 = arith.constant 40 : i32
      %dma_wait3A_54 = arith.constant 0 : i32
      %dma_wait3A_55 = tpu.memref_slice %arg4[%arg1, %dma_wait3A_53, %dma_wait3A_54] : memref<16x80x128xi32, #tpu.memory_space<hbm>> -> memref<1x40x128xi32, #tpu.memory_space<hbm>>
      %dma_wait3A_56 = tpu.memref_squeeze %dma_wait3A_55 : memref<1x40x128xi32, #tpu.memory_space<hbm>> -> memref<40x128xi32, #tpu.memory_space<hbm>>
      %dma_wait3A_57 = arith.constant 40 : i32
      %dma_wait3A_58 = arith.constant 0 : i32
      %dma_wait3A_59 = tpu.memref_slice %arg4[%arg1, %dma_wait3A_57, %dma_wait3A_58] : memref<16x80x128xi32, #tpu.memory_space<hbm>> -> memref<1x40x128xi32, #tpu.memory_space<hbm>>
      %dma_wait3A_60 = tpu.memref_squeeze %dma_wait3A_59 : memref<1x40x128xi32, #tpu.memory_space<hbm>> -> memref<40x128xi32, #tpu.memory_space<hbm>>
      tpu.wait_dma2 semaphore(%run_scoped3A : memref<!tpu.dma_semaphore, #tpu.memory_space<semaphore_mem>>) src(%dma_wait3A_60 : memref<40x128xi32, #tpu.memory_space<hbm>>) dst(%arg8 : memref<40x128xi32, #tpu.memory_space<vmem>>)
      tpu.yield
    }) : () -> ()
    %dma_start3A_18 = arith.constant 0 : i32
    %dma_start3A_19 = arith.constant 0 : i32
    %dma_start3A_20 = tpu.memref_slice %arg7[%dma_start3A_18, %dma_start3A_19] : memref<40x128xi32, #tpu.memory_space<vmem>> -> memref<1x128xi32, #tpu.memory_space<vmem>>
    %dma_start3A_21 = tpu.memref_squeeze %dma_start3A_20 : memref<1x128xi32, #tpu.memory_space<vmem>> -> memref<128xi32, #tpu.memory_space<vmem>>
    %dma_start3A_22 = arith.constant 0 : i32
    %dma_start3A_23 = arith.constant 0 : i32
    %dma_start3A_24 = tpu.memref_slice %arg2[%dma_start3A_22, %dma_start3A_23] : memref<20000x128xf32, #tpu.memory_space<hbm>> -> memref<20000x128xf32, #tpu.memory_space<hbm>>
    tpu.enqueue_indirect_dma source(%dma_start3A_24 : memref<20000x128xf32, #tpu.memory_space<hbm>>) target(%arg9 : memref<128x128xf32, #tpu.memory_space<vmem>>) offsets(%dma_start3A_21 : memref<128xi32, #tpu.memory_space<vmem>>) semaphore(%arg12 : memref<!tpu.dma_semaphore, #tpu.memory_space<semaphore_mem>>)
    %scan3A_25 = arith.constant 0 : i32
    %scan3A_26 = arith.constant 0 : i32
    %scan3A_27 = arith.constant 20 : i32
    %scan3A_28 = arith.addi %scan3A_26, %scan3A_27 : i32
    %scan3A_29 = arith.constant 1 : i32
    scf.for %scan3A_45 = %scan3A_26 to %scan3A_28 step %scan3A_29  : i32 {
      %mul3A_46 = arith.constant 2 : i32
      %mul3A_47 = arith.muli %mul3A_46, %scan3A_45 : i32
      %mul3A_48 = arith.constant 2 : i32
      %mul3A_49 = arith.muli %mul3A_48, %scan3A_45 : i32
      %add3A = arith.constant 1 : i32
      %add3A_50 = arith.addi %mul3A_49, %add3A : i32
      %dma_wait3A_51 = arith.constant 0 : i32
      %dma_wait3A_52 = tpu.memref_slice %arg7[%mul3A_47, %dma_wait3A_51] : memref<40x128xi32, #tpu.memory_space<vmem>> -> memref<1x128xi32, #tpu.memory_space<vmem>>
      %dma_wait3A_53 = tpu.memref_squeeze %dma_wait3A_52 : memref<1x128xi32, #tpu.memory_space<vmem>> -> memref<128xi32, #tpu.memory_space<vmem>>
      %dma_wait3A_54 = arith.constant 0 : i32
      %dma_wait3A_55 = arith.constant 0 : i32
      %dma_wait3A_56 = tpu.memref_slice %arg2[%dma_wait3A_54, %dma_wait3A_55] : memref<20000x128xf32, #tpu.memory_space<hbm>> -> memref<20000x128xf32, #tpu.memory_space<hbm>>
      tpu.wait_indirect_dma semaphore(%arg12 : memref<!tpu.dma_semaphore, #tpu.memory_space<semaphore_mem>>) src(%dma_wait3A_56 : memref<20000x128xf32, #tpu.memory_space<hbm>>) dst(%arg9 : memref<128x128xf32, #tpu.memory_space<vmem>>)
      %dma_start3A_57 = arith.constant 0 : i32
      %dma_start3A_58 = tpu.memref_slice %arg8[%mul3A_47, %dma_start3A_57] : memref<40x128xi32, #tpu.memory_space<vmem>> -> memref<1x128xi32, #tpu.memory_space<vmem>>
      %dma_start3A_59 = tpu.memref_squeeze %dma_start3A_58 : memref<1x128xi32, #tpu.memory_space<vmem>> -> memref<128xi32, #tpu.memory_space<vmem>>
      %dma_start3A_60 = arith.constant 0 : i32
      %dma_start3A_61 = arith.constant 0 : i32
      %dma_start3A_62 = tpu.memref_slice %arg11[%dma_start3A_60, %dma_start3A_61] : memref<10112x128xf32, #tpu.memory_space<vmem_shared>> -> memref<10112x128xf32, #tpu.memory_space<vmem_shared>>
      tpu.enqueue_indirect_dma source(%arg9 : memref<128x128xf32, #tpu.memory_space<vmem>>) target(%dma_start3A_62 : memref<10112x128xf32, #tpu.memory_space<vmem_shared>>) offsets(%dma_start3A_59 : memref<128xi32, #tpu.memory_space<vmem>>) semaphore(%arg14 : memref<!tpu.dma_semaphore, #tpu.memory_space<semaphore_mem>>) {add = true}
      %gt3A = arith.constant 0 : i32
      %gt3A_63 = arith.cmpi sgt, %scan3A_45, %gt3A : i32
      %convert_element_type3A_64 = arith.extui %gt3A_63 : i1 to i32
      %cond3A_65 = arith.constant 0 : i32
      %cond3A_66 = arith.cmpi ne, %convert_element_type3A_64, %cond3A_65 : i32
      scf.if %cond3A_66 {
        %sub3A = arith.constant 2 : i32
        %sub3A_95 = arith.subi %add3A_50, %sub3A : i32
        %dma_wait3A_96 = arith.constant 0 : i32
        %dma_wait3A_97 = tpu.memref_slice %arg8[%sub3A_95, %dma_wait3A_96] : memref<40x128xi32, #tpu.memory_space<vmem>> -> memref<1x128xi32, #tpu.memory_space<vmem>>
        %dma_wait3A_98 = tpu.memref_squeeze %dma_wait3A_97 : memref<1x128xi32, #tpu.memory_space<vmem>> -> memref<128xi32, #tpu.memory_space<vmem>>
        %dma_wait3A_99 = arith.constant 0 : i32
        %dma_wait3A_100 = arith.constant 0 : i32
        %dma_wait3A_101 = tpu.memref_slice %arg11[%dma_wait3A_99, %dma_wait3A_100] : memref<10112x128xf32, #tpu.memory_space<vmem_shared>> -> memref<10112x128xf32, #tpu.memory_space<vmem_shared>>
        tpu.wait_indirect_dma semaphore(%arg15 : memref<!tpu.dma_semaphore, #tpu.memory_space<semaphore_mem>>) src(%arg10 : memref<128x128xf32, #tpu.memory_space<vmem>>) dst(%dma_wait3A_101 : memref<10112x128xf32, #tpu.memory_space<vmem_shared>>)
      } else {
      }
      %dma_start3A_67 = arith.constant 0 : i32
      %dma_start3A_68 = tpu.memref_slice %arg7[%add3A_50, %dma_start3A_67] : memref<40x128xi32, #tpu.memory_space<vmem>> -> memref<1x128xi32, #tpu.memory_space<vmem>>
      %dma_start3A_69 = tpu.memref_squeeze %dma_start3A_68 : memref<1x128xi32, #tpu.memory_space<vmem>> -> memref<128xi32, #tpu.memory_space<vmem>>
      %dma_start3A_70 = arith.constant 0 : i32
      %dma_start3A_71 = arith.constant 0 : i32
      %dma_start3A_72 = tpu.memref_slice %arg2[%dma_start3A_70, %dma_start3A_71] : memref<20000x128xf32, #tpu.memory_space<hbm>> -> memref<20000x128xf32, #tpu.memory_space<hbm>>
      tpu.enqueue_indirect_dma source(%dma_start3A_72 : memref<20000x128xf32, #tpu.memory_space<hbm>>) target(%arg10 : memref<128x128xf32, #tpu.memory_space<vmem>>) offsets(%dma_start3A_69 : memref<128xi32, #tpu.memory_space<vmem>>) semaphore(%arg13 : memref<!tpu.dma_semaphore, #tpu.memory_space<semaphore_mem>>)
      %dma_wait3A_73 = arith.constant 0 : i32
      %dma_wait3A_74 = tpu.memref_slice %arg7[%add3A_50, %dma_wait3A_73] : memref<40x128xi32, #tpu.memory_space<vmem>> -> memref<1x128xi32, #tpu.memory_space<vmem>>
      %dma_wait3A_75 = tpu.memref_squeeze %dma_wait3A_74 : memref<1x128xi32, #tpu.memory_space<vmem>> -> memref<128xi32, #tpu.memory_space<vmem>>
      %dma_wait3A_76 = arith.constant 0 : i32
      %dma_wait3A_77 = arith.constant 0 : i32
      %dma_wait3A_78 = tpu.memref_slice %arg2[%dma_wait3A_76, %dma_wait3A_77] : memref<20000x128xf32, #tpu.memory_space<hbm>> -> memref<20000x128xf32, #tpu.memory_space<hbm>>
      tpu.wait_indirect_dma semaphore(%arg13 : memref<!tpu.dma_semaphore, #tpu.memory_space<semaphore_mem>>) src(%dma_wait3A_78 : memref<20000x128xf32, #tpu.memory_space<hbm>>) dst(%arg10 : memref<128x128xf32, #tpu.memory_space<vmem>>)
      %dma_start3A_79 = arith.constant 0 : i32
      %dma_start3A_80 = tpu.memref_slice %arg8[%add3A_50, %dma_start3A_79] : memref<40x128xi32, #tpu.memory_space<vmem>> -> memref<1x128xi32, #tpu.memory_space<vmem>>
      %dma_start3A_81 = tpu.memref_squeeze %dma_start3A_80 : memref<1x128xi32, #tpu.memory_space<vmem>> -> memref<128xi32, #tpu.memory_space<vmem>>
      %dma_start3A_82 = arith.constant 0 : i32
      %dma_start3A_83 = arith.constant 0 : i32
      %dma_start3A_84 = tpu.memref_slice %arg11[%dma_start3A_82, %dma_start3A_83] : memref<10112x128xf32, #tpu.memory_space<vmem_shared>> -> memref<10112x128xf32, #tpu.memory_space<vmem_shared>>
      tpu.enqueue_indirect_dma source(%arg10 : memref<128x128xf32, #tpu.memory_space<vmem>>) target(%dma_start3A_84 : memref<10112x128xf32, #tpu.memory_space<vmem_shared>>) offsets(%dma_start3A_81 : memref<128xi32, #tpu.memory_space<vmem>>) semaphore(%arg15 : memref<!tpu.dma_semaphore, #tpu.memory_space<semaphore_mem>>) {add = true}
      %dma_wait3A_85 = arith.constant 0 : i32
      %dma_wait3A_86 = tpu.memref_slice %arg8[%mul3A_47, %dma_wait3A_85] : memref<40x128xi32, #tpu.memory_space<vmem>> -> memref<1x128xi32, #tpu.memory_space<vmem>>
      %dma_wait3A_87 = tpu.memref_squeeze %dma_wait3A_86 : memref<1x128xi32, #tpu.memory_space<vmem>> -> memref<128xi32, #tpu.memory_space<vmem>>
      %dma_wait3A_88 = arith.constant 0 : i32
      %dma_wait3A_89 = arith.constant 0 : i32
      %dma_wait3A_90 = tpu.memref_slice %arg11[%dma_wait3A_88, %dma_wait3A_89] : memref<10112x128xf32, #tpu.memory_space<vmem_shared>> -> memref<10112x128xf32, #tpu.memory_space<vmem_shared>>
      tpu.wait_indirect_dma semaphore(%arg14 : memref<!tpu.dma_semaphore, #tpu.memory_space<semaphore_mem>>) src(%arg9 : memref<128x128xf32, #tpu.memory_space<vmem>>) dst(%dma_wait3A_90 : memref<10112x128xf32, #tpu.memory_space<vmem_shared>>)
      %lt3A = arith.constant 19 : i32
      %lt3A_91 = arith.cmpi slt, %scan3A_45, %lt3A : i32
      %convert_element_type3A_92 = arith.extui %lt3A_91 : i1 to i32
      %cond3A_93 = arith.constant 0 : i32
      %cond3A_94 = arith.cmpi ne, %convert_element_type3A_92, %cond3A_93 : i32
      scf.if %cond3A_94 {
        %add3A_95 = arith.constant 2 : i32
        %add3A_96 = arith.addi %mul3A_47, %add3A_95 : i32
        %dma_start3A_97 = arith.constant 0 : i32
        %dma_start3A_98 = tpu.memref_slice %arg7[%add3A_96, %dma_start3A_97] : memref<40x128xi32, #tpu.memory_space<vmem>> -> memref<1x128xi32, #tpu.memory_space<vmem>>
        %dma_start3A_99 = tpu.memref_squeeze %dma_start3A_98 : memref<1x128xi32, #tpu.memory_space<vmem>> -> memref<128xi32, #tpu.memory_space<vmem>>
        %dma_start3A_100 = arith.constant 0 : i32
        %dma_start3A_101 = arith.constant 0 : i32
        %dma_start3A_102 = tpu.memref_slice %arg2[%dma_start3A_100, %dma_start3A_101] : memref<20000x128xf32, #tpu.memory_space<hbm>> -> memref<20000x128xf32, #tpu.memory_space<hbm>>
        tpu.enqueue_indirect_dma source(%dma_start3A_102 : memref<20000x128xf32, #tpu.memory_space<hbm>>) target(%arg9 : memref<128x128xf32, #tpu.memory_space<vmem>>) offsets(%dma_start3A_99 : memref<128xi32, #tpu.memory_space<vmem>>) semaphore(%arg12 : memref<!tpu.dma_semaphore, #tpu.memory_space<semaphore_mem>>)
      } else {
      }
    }
    %scan3A_30 = arith.constant 20 : i32
    %dma_wait3A_31 = arith.constant 39 : i32
    %dma_wait3A_32 = arith.constant 0 : i32
    %dma_wait3A_33 = tpu.memref_slice %arg8[%dma_wait3A_31, %dma_wait3A_32] : memref<40x128xi32, #tpu.memory_space<vmem>> -> memref<1x128xi32, #tpu.memory_space<vmem>>
    %dma_wait3A_34 = tpu.memref_squeeze %dma_wait3A_33 : memref<1x128xi32, #tpu.memory_space<vmem>> -> memref<128xi32, #tpu.memory_space<vmem>>
    %dma_wait3A_35 = arith.constant 0 : i32
    %dma_wait3A_36 = arith.constant 0 : i32
    %dma_wait3A_37 = tpu.memref_slice %arg11[%dma_wait3A_35, %dma_wait3A_36] : memref<10112x128xf32, #tpu.memory_space<vmem_shared>> -> memref<10112x128xf32, #tpu.memory_space<vmem_shared>>
    tpu.wait_indirect_dma semaphore(%arg15 : memref<!tpu.dma_semaphore, #tpu.memory_space<semaphore_mem>>) src(%arg10 : memref<128x128xf32, #tpu.memory_space<vmem>>) dst(%dma_wait3A_37 : memref<10112x128xf32, #tpu.memory_space<vmem_shared>>)
    %barrier3A_38 = arith.constant 0 : index
    tpu.barrier barrier_id(%barrier3A_38)
    %mul3A_39 = arith.constant 624 : i32
    %mul3A_40 = arith.muli %arg1, %mul3A_39 : i32
    %mul3A_41 = arith.constant 624 : i32
    %mul3A_42 = arith.muli %arg1, %mul3A_41 : i32
    "tpu.region"() ({
      %run_scoped3A = tpu.sem_alloc : memref<!tpu.dma_semaphore, #tpu.memory_space<semaphore_mem>>
      %dma_start3A_45 = arith.constant 0 : i32
      %dma_start3A_46 = tpu.memref_slice %arg6[%arg0, %mul3A_42, %dma_start3A_45] : memref<2x10000x128xf32, #tpu.memory_space<hbm>> -> memref<1x624x128xf32, #tpu.memory_space<hbm>>
      %dma_start3A_47 = tpu.memref_squeeze %dma_start3A_46 : memref<1x624x128xf32, #tpu.memory_space<hbm>> -> memref<624x128xf32, #tpu.memory_space<hbm>>
      %dma_start3A_48 = arith.constant 0 : i32
      %dma_start3A_49 = tpu.memref_slice %arg11[%mul3A_40, %dma_start3A_48] : memref<10112x128xf32, #tpu.memory_space<vmem_shared>> -> memref<624x128xf32, #tpu.memory_space<vmem_shared>>
      tpu.enqueue_dma source(%dma_start3A_49 : memref<624x128xf32, #tpu.memory_space<vmem_shared>>) target(%dma_start3A_47 : memref<624x128xf32, #tpu.memory_space<hbm>>) target_semaphore(%run_scoped3A : memref<!tpu.dma_semaphore, #tpu.memory_space<semaphore_mem>>)
      %dma_wait3A_50 = arith.constant 0 : i32
      %dma_wait3A_51 = tpu.memref_slice %arg6[%arg0, %mul3A_42, %dma_wait3A_50] : memref<2x10000x128xf32, #tpu.memory_space<hbm>> -> memref<1x624x128xf32, #tpu.memory_space<hbm>>
      %dma_wait3A_52 = tpu.memref_squeeze %dma_wait3A_51 : memref<1x624x128xf32, #tpu.memory_space<hbm>> -> memref<624x128xf32, #tpu.memory_space<hbm>>
      %dma_wait3A_53 = arith.constant 0 : i32
      %dma_wait3A_54 = tpu.memref_slice %arg11[%mul3A_40, %dma_wait3A_53] : memref<10112x128xf32, #tpu.memory_space<vmem_shared>> -> memref<624x128xf32, #tpu.memory_space<vmem_shared>>
      tpu.wait_dma2 semaphore(%run_scoped3A : memref<!tpu.dma_semaphore, #tpu.memory_space<semaphore_mem>>) src(%dma_wait3A_54 : memref<624x128xf32, #tpu.memory_space<vmem_shared>>) dst(%dma_wait3A_52 : memref<624x128xf32, #tpu.memory_space<hbm>>)
      tpu.yield
    }) : () -> ()
    %eq3A = arith.constant 15 : i32
    %eq3A_43 = arith.cmpi eq, %arg1, %eq3A : i32
    %convert_element_type3A = arith.extui %eq3A_43 : i1 to i32
    %cond3A = arith.constant 0 : i32
    %cond3A_44 = arith.cmpi ne, %convert_element_type3A, %cond3A : i32
    scf.if %cond3A_44 {
      "tpu.region"() ({
        %run_scoped3A = tpu.sem_alloc : memref<!tpu.dma_semaphore, #tpu.memory_space<semaphore_mem>>
        %dma_start3A_45 = arith.constant 9984 : i32
        %dma_start3A_46 = arith.constant 0 : i32
        %dma_start3A_47 = tpu.memref_slice %arg6[%arg0, %dma_start3A_45, %dma_start3A_46] : memref<2x10000x128xf32, #tpu.memory_space<hbm>> -> memref<1x16x128xf32, #tpu.memory_space<hbm>>
        %dma_start3A_48 = tpu.memref_squeeze %dma_start3A_47 : memref<1x16x128xf32, #tpu.memory_space<hbm>> -> memref<16x128xf32, #tpu.memory_space<hbm>>
        %dma_start3A_49 = arith.constant 9984 : i32
        %dma_start3A_50 = arith.constant 0 : i32
        %dma_start3A_51 = tpu.memref_slice %arg11[%dma_start3A_49, %dma_start3A_50] : memref<10112x128xf32, #tpu.memory_space<vmem_shared>> -> memref<16x128xf32, #tpu.memory_space<vmem_shared>>
        tpu.enqueue_dma source(%dma_start3A_51 : memref<16x128xf32, #tpu.memory_space<vmem_shared>>) target(%dma_start3A_48 : memref<16x128xf32, #tpu.memory_space<hbm>>) target_semaphore(%run_scoped3A : memref<!tpu.dma_semaphore, #tpu.memory_space<semaphore_mem>>)
        %dma_wait3A_52 = arith.constant 9984 : i32
        %dma_wait3A_53 = arith.constant 0 : i32
        %dma_wait3A_54 = tpu.memref_slice %arg6[%arg0, %dma_wait3A_52, %dma_wait3A_53] : memref<2x10000x128xf32, #tpu.memory_space<hbm>> -> memref<1x16x128xf32, #tpu.memory_space<hbm>>
        %dma_wait3A_55 = tpu.memref_squeeze %dma_wait3A_54 : memref<1x16x128xf32, #tpu.memory_space<hbm>> -> memref<16x128xf32, #tpu.memory_space<hbm>>
        %dma_wait3A_56 = arith.constant 9984 : i32
        %dma_wait3A_57 = arith.constant 0 : i32
        %dma_wait3A_58 = tpu.memref_slice %arg11[%dma_wait3A_56, %dma_wait3A_57] : memref<10112x128xf32, #tpu.memory_space<vmem_shared>> -> memref<16x128xf32, #tpu.memory_space<vmem_shared>>
        tpu.wait_dma2 semaphore(%run_scoped3A : memref<!tpu.dma_semaphore, #tpu.memory_space<semaphore_mem>>) src(%dma_wait3A_58 : memref<16x128xf32, #tpu.memory_space<vmem_shared>>) dst(%dma_wait3A_55 : memref<16x128xf32, #tpu.memory_space<hbm>>)
        tpu.yield
      }) : () -> ()
    } else {
    }
    return
  }
}

module attributes {stable_mosaic.version = 14 : i64} {
  func.func @_relayout_body(%arg0: i32, %arg1: memref<1000x256xf32, #tpu.memory_space<vmem>>, %arg2: memref<2x1000x128xf32, #tpu.memory_space<vmem>>) attributes {dimension_semantics = [#tpu.dimension_semantics<arbitrary>], iteration_bounds = array<i64: 10>, scalar_prefetch = 0 : i64, scratch_operands = 0 : i64, tpu.core_type = #tpu.core_type<tc>, window_params = [{transform_indices = @transform_0, window_bounds = array<i64: 1000, 256>}, {transform_indices = @transform_1, window_bounds = array<i64: 2, 1000, 128>}]} {
    %get3A = arith.constant 0 : index
    %get3A_0 = arith.constant 0 : index
    %get3A_1 = vector.load %arg1[%get3A, %get3A_0] : memref<1000x256xf32, #tpu.memory_space<vmem>>, vector<1000x128xf32>
    %swap3A = arith.constant 0 : index
    %swap3A_2 = arith.constant 0 : index
    %swap3A_3 = arith.constant 0 : index
    %swap3A_4 = vector.load %arg2[%swap3A, %swap3A_2, %swap3A_3] : memref<2x1000x128xf32, #tpu.memory_space<vmem>>, vector<1x1000x128xf32>
    %swap3A_5 = vector.shape_cast %swap3A_4 : vector<1x1000x128xf32> to vector<1000x128xf32>
    %swap3A_6 = vector.shape_cast %get3A_1 : vector<1000x128xf32> to vector<1x1000x128xf32>
    tpu.vector_store %arg2[%swap3A, %swap3A_2, %swap3A_3], %swap3A_6 {strides = array<i32>} : memref<2x1000x128xf32, #tpu.memory_space<vmem>>, vector<1x1000x128xf32>,
    %get3A_7 = arith.constant 0 : index
    %get3A_8 = arith.constant 128 : index
    %get3A_9 = vector.load %arg1[%get3A_7, %get3A_8] : memref<1000x256xf32, #tpu.memory_space<vmem>>, vector<1000x128xf32>
    %swap3A_10 = arith.constant 1 : index
    %swap3A_11 = arith.constant 0 : index
    %swap3A_12 = arith.constant 0 : index
    %swap3A_13 = vector.load %arg2[%swap3A_10, %swap3A_11, %swap3A_12] : memref<2x1000x128xf32, #tpu.memory_space<vmem>>, vector<1x1000x128xf32>
    %swap3A_14 = vector.shape_cast %swap3A_13 : vector<1x1000x128xf32> to vector<1000x128xf32>
    %swap3A_15 = vector.shape_cast %get3A_9 : vector<1000x128xf32> to vector<1x1000x128xf32>
    tpu.vector_store %arg2[%swap3A_10, %swap3A_11, %swap3A_12], %swap3A_15 {strides = array<i32>} : memref<2x1000x128xf32, #tpu.memory_space<vmem>>, vector<1x1000x128xf32>,
    return
  }
  func.func @transform_0(%arg0: i32) -> (i32, i32) {
    %c0_i32 = arith.constant 0 : i32
    %c0_i32_0 = arith.constant 0 : i32
    return %arg0, %c0_i32 : i32, i32
  }
  func.func @transform_1(%arg0: i32) -> (i32, i32, i32) {
    %c0_i32 = arith.constant 0 : i32
    %c0_i32_0 = arith.constant 0 : i32
    %c0_i32_1 = arith.constant 0 : i32
    return %c0_i32, %arg0, %c0_i32_0 : i32, i32, i32
  }
}

module attributes {stable_mosaic.version = 14 : i64} {
  func.func @_layer1_body(%arg0: i32, %arg1: memref<2x1000x128xf32, #tpu.memory_space<vmem>>, %arg2: memref<1000x256xf32, #tpu.memory_space<vmem>>, %arg3: memref<2x1000x128xf32, #tpu.memory_space<vmem>>, %arg4: memref<256x512xf32, #tpu.memory_space<vmem>>, %arg5: memref<1x512xf32, #tpu.memory_space<vmem>>, %arg6: memref<512x256xf32, #tpu.memory_space<vmem>>, %arg7: memref<2x1000x128xf32, #tpu.memory_space<vmem>>) attributes {dimension_semantics = [#tpu.dimension_semantics<arbitrary>], iteration_bounds = array<i64: 10>, scalar_prefetch = 0 : i64, scratch_operands = 0 : i64, tpu.core_type = #tpu.core_type<tc>, window_params = [{transform_indices = @transform_0, window_bounds = array<i64: 2, 1000, 128>}, {transform_indices = @transform_1, window_bounds = array<i64: 1000, 256>}, {transform_indices = @transform_2, window_bounds = array<i64: 2, 1000, 128>}, {pipeline_mode = #tpu.pipeline_mode<synchronous>, transform_indices = @transform_3, window_bounds = array<i64: 256, 512>}, {pipeline_mode = #tpu.pipeline_mode<synchronous>, transform_indices = @transform_4, window_bounds = array<i64: 1, 512>}, {pipeline_mode = #tpu.pipeline_mode<synchronous>, transform_indices = @transform_5, window_bounds = array<i64: 512, 256>}, {transform_indices = @transform_6, window_bounds = array<i64: 2, 1000, 128>}]} {
    %get3A = arith.constant 0 : index
    %get3A_0 = arith.constant 0 : index
    %get3A_1 = arith.constant 0 : index
    %get3A_2 = vector.load %arg1[%get3A, %get3A_0, %get3A_1] : memref<2x1000x128xf32, #tpu.memory_space<vmem>>, vector<1x1000x128xf32>
    %get3A_3 = vector.shape_cast %get3A_2 : vector<1x1000x128xf32> to vector<1000x128xf32>
    %get3A_4 = arith.constant 1 : index
    %get3A_5 = arith.constant 0 : index
    %get3A_6 = arith.constant 0 : index
    %get3A_7 = vector.load %arg1[%get3A_4, %get3A_5, %get3A_6] : memref<2x1000x128xf32, #tpu.memory_space<vmem>>, vector<1x1000x128xf32>
    %get3A_8 = vector.shape_cast %get3A_7 : vector<1x1000x128xf32> to vector<1000x128xf32>
    %concatenate3A = tpu.concatenate %get3A_3, %get3A_8 in 1 : vector<1000x128xf32>, vector<1000x128xf32> -> vector<1000x256xf32>
    %get3A_9 = arith.constant 0 : index
    %get3A_10 = arith.constant 0 : index
    %get3A_11 = arith.constant 0 : index
    %get3A_12 = vector.load %arg3[%get3A_9, %get3A_10, %get3A_11] : memref<2x1000x128xf32, #tpu.memory_space<vmem>>, vector<1x1000x1xf32>
    %get3A_13 = vector.shape_cast %get3A_12 : vector<1x1000x1xf32> to vector<1000x1xf32>
    %get3A_14 = arith.constant 1 : index
    %get3A_15 = arith.constant 0 : index
    %get3A_16 = arith.constant 0 : index
    %get3A_17 = vector.load %arg3[%get3A_14, %get3A_15, %get3A_16] : memref<2x1000x128xf32, #tpu.memory_space<vmem>>, vector<1x1000x1xf32>
    %get3A_18 = vector.shape_cast %get3A_17 : vector<1x1000x1xf32> to vector<1000x1xf32>
    %add3A = arith.addf %get3A_13, %get3A_18 : vector<1000x1xf32>
    %add3A_19 = arith.constant 1.000000e+00 : f32
    %add3A_20 = vector.broadcast %add3A_19 : f32 to vector<1000x1xf32>
    %add3A_21 = arith.addf %add3A, %add3A_20 : vector<1000x1xf32>
    %div3A = arith.constant 1.000000e+00 : f32
    %div3A_22 = vector.broadcast %div3A : f32 to vector<1000x1xf32>
    %div3A_23 = arith.divf %div3A_22, %add3A_21 : vector<1000x1xf32>
    %get3A_24 = arith.constant 0 : index
    %get3A_25 = arith.constant 0 : index
    %get3A_26 = vector.load %arg2[%get3A_24, %get3A_25] : memref<1000x256xf32, #tpu.memory_space<vmem>>, vector<1000x256xf32>
    %add3A_27 = arith.addf %concatenate3A, %get3A_26 : vector<1000x256xf32>
    %mul3A = vector.broadcast %div3A_23 : vector<1000x1xf32> to vector<1000x256xf32>
    %mul3A_28 = arith.mulf %add3A_27, %mul3A : vector<1000x256xf32>
    %get3A_29 = arith.constant 0 : index
    %get3A_30 = arith.constant 0 : index
    %get3A_31 = vector.load %arg4[%get3A_29, %get3A_30] : memref<256x512xf32, #tpu.memory_space<vmem>>, vector<256x512xf32>
    %dot_general3A = arith.constant dense<0.000000e+00> : vector<1000x512xf32>
    %dot_general3A_32 = tpu.matmul %mul3A_28, %get3A_31, %dot_general3A {dimension_numbers = #tpu.dot_dimension_numbers<[1], [0], [0], [1], [0, 0, 1, 1], [], []>, precision = #tpu.contract_precision<fp32>, transpose_lhs_hint = false} : vector<1000x256xf32>, vector<256x512xf32>, vector<1000x512xf32> -> vector<1000x512xf32>
    %get3A_33 = arith.constant 0 : index
    %get3A_34 = arith.constant 0 : index
    %get3A_35 = vector.load %arg5[%get3A_33, %get3A_34] : memref<1x512xf32, #tpu.memory_space<vmem>>, vector<1x512xf32>
    %add3A_36 = vector.broadcast %get3A_35 : vector<1x512xf32> to vector<1000x512xf32>
    %add3A_37 = arith.addf %dot_general3A_32, %add3A_36 : vector<1000x512xf32>
    %max3A = arith.constant 0.000000e+00 : f32
    %max3A_38 = vector.broadcast %max3A : f32 to vector<1000x512xf32>
    %max3A_39 = arith.maximumf %add3A_37, %max3A_38 : vector<1000x512xf32>
    %get3A_40 = arith.constant 0 : index
    %get3A_41 = arith.constant 0 : index
    %get3A_42 = vector.load %arg6[%get3A_40, %get3A_41] : memref<512x256xf32, #tpu.memory_space<vmem>>, vector<512x256xf32>
    %dot_general3A_43 = arith.constant dense<0.000000e+00> : vector<1000x256xf32>
    %dot_general3A_44 = tpu.matmul %max3A_39, %get3A_42, %dot_general3A_43 {dimension_numbers = #tpu.dot_dimension_numbers<[1], [0], [0], [1], [0, 0, 1, 1], [], []>, precision = #tpu.contract_precision<fp32>, transpose_lhs_hint = false} : vector<1000x512xf32>, vector<512x256xf32>, vector<1000x256xf32> -> vector<1000x256xf32>
    %slice3A = vector.extract_strided_slice %dot_general3A_44 {offsets = [0, 0], sizes = [1000, 128], strides = [1, 1]} : vector<1000x256xf32> to vector<1000x128xf32>
    %swap3A = arith.constant 0 : index
    %swap3A_45 = arith.constant 0 : index
    %swap3A_46 = arith.constant 0 : index
    %swap3A_47 = vector.load %arg7[%swap3A, %swap3A_45, %swap3A_46] : memref<2x1000x128xf32, #tpu.memory_space<vmem>>, vector<1x1000x128xf32>
    %swap3A_48 = vector.shape_cast %swap3A_47 : vector<1x1000x128xf32> to vector<1000x128xf32>
    %swap3A_49 = vector.shape_cast %slice3A : vector<1000x128xf32> to vector<1x1000x128xf32>
    tpu.vector_store %arg7[%swap3A, %swap3A_45, %swap3A_46], %swap3A_49 {strides = array<i32>} : memref<2x1000x128xf32, #tpu.memory_space<vmem>>, vector<1x1000x128xf32>,
    %slice3A_50 = vector.extract_strided_slice %dot_general3A_44 {offsets = [0, 128], sizes = [1000, 128], strides = [1, 1]} : vector<1000x256xf32> to vector<1000x128xf32>
    %swap3A_51 = arith.constant 1 : index
    %swap3A_52 = arith.constant 0 : index
    %swap3A_53 = arith.constant 0 : index
    %swap3A_54 = vector.load %arg7[%swap3A_51, %swap3A_52, %swap3A_53] : memref<2x1000x128xf32, #tpu.memory_space<vmem>>, vector<1x1000x128xf32>
    %swap3A_55 = vector.shape_cast %swap3A_54 : vector<1x1000x128xf32> to vector<1000x128xf32>
    %swap3A_56 = vector.shape_cast %slice3A_50 : vector<1000x128xf32> to vector<1x1000x128xf32>
    tpu.vector_store %arg7[%swap3A_51, %swap3A_52, %swap3A_53], %swap3A_56 {strides = array<i32>} : memref<2x1000x128xf32, #tpu.memory_space<vmem>>, vector<1x1000x128xf32>,
    return
  }
  func.func @transform_0(%arg0: i32) -> (i32, i32, i32) {
    %c0_i32 = arith.constant 0 : i32
    %c0_i32_0 = arith.constant 0 : i32
    %c0_i32_1 = arith.constant 0 : i32
    return %c0_i32, %arg0, %c0_i32_0 : i32, i32, i32
  }
  func.func @transform_1(%arg0: i32) -> (i32, i32) {
    %c0_i32 = arith.constant 0 : i32
    %c0_i32_0 = arith.constant 0 : i32
    return %arg0, %c0_i32 : i32, i32
  }
  func.func @transform_2(%arg0: i32) -> (i32, i32, i32) {
    %c0_i32 = arith.constant 0 : i32
    %c0_i32_0 = arith.constant 0 : i32
    %c0_i32_1 = arith.constant 0 : i32
    return %c0_i32, %arg0, %c0_i32_0 : i32, i32, i32
  }
  func.func @transform_3(%arg0: i32) -> (i32, i32) {
    %c0_i32 = arith.constant 0 : i32
    %c0_i32_0 = arith.constant 0 : i32
    %c0_i32_1 = arith.constant 0 : i32
    return %c0_i32, %c0_i32_0 : i32, i32
  }
  func.func @transform_4(%arg0: i32) -> (i32, i32) {
    %c0_i32 = arith.constant 0 : i32
    %c0_i32_0 = arith.constant 0 : i32
    %c0_i32_1 = arith.constant 0 : i32
    return %c0_i32, %c0_i32_0 : i32, i32
  }
  func.func @transform_5(%arg0: i32) -> (i32, i32) {
    %c0_i32 = arith.constant 0 : i32
    %c0_i32_0 = arith.constant 0 : i32
    %c0_i32_1 = arith.constant 0 : i32
    return %c0_i32, %c0_i32_0 : i32, i32
  }
  func.func @transform_6(%arg0: i32) -> (i32, i32, i32) {
    %c0_i32 = arith.constant 0 : i32
    %c0_i32_0 = arith.constant 0 : i32
    %c0_i32_1 = arith.constant 0 : i32
    return %c0_i32, %arg0, %c0_i32_0 : i32, i32, i32
  }
}

module attributes {stable_mosaic.version = 14 : i64} {
  func.func @_layer2_body(%arg0: i32, %arg1: memref<2x1000x128xf32, #tpu.memory_space<vmem>>, %arg2: memref<2x1000x128xf32, #tpu.memory_space<vmem>>, %arg3: memref<2x1000x128xf32, #tpu.memory_space<vmem>>, %arg4: memref<1x256xf32, #tpu.memory_space<vmem>>, %arg5: memref<1000x256xf32, #tpu.memory_space<vmem>>) attributes {dimension_semantics = [#tpu.dimension_semantics<arbitrary>], iteration_bounds = array<i64: 10>, scalar_prefetch = 0 : i64, scratch_operands = 0 : i64, tpu.core_type = #tpu.core_type<tc>, window_params = [{transform_indices = @transform_0, window_bounds = array<i64: 2, 1000, 128>}, {transform_indices = @transform_1, window_bounds = array<i64: 2, 1000, 128>}, {transform_indices = @transform_2, window_bounds = array<i64: 2, 1000, 128>}, {pipeline_mode = #tpu.pipeline_mode<synchronous>, transform_indices = @transform_3, window_bounds = array<i64: 1, 256>}, {transform_indices = @transform_4, window_bounds = array<i64: 1000, 256>}]} {
    %get3A = arith.constant 0 : index
    %get3A_0 = arith.constant 0 : index
    %get3A_1 = arith.constant 0 : index
    %get3A_2 = vector.load %arg1[%get3A, %get3A_0, %get3A_1] : memref<2x1000x128xf32, #tpu.memory_space<vmem>>, vector<1x1000x128xf32>
    %get3A_3 = vector.shape_cast %get3A_2 : vector<1x1000x128xf32> to vector<1000x128xf32>
    %get3A_4 = arith.constant 1 : index
    %get3A_5 = arith.constant 0 : index
    %get3A_6 = arith.constant 0 : index
    %get3A_7 = vector.load %arg1[%get3A_4, %get3A_5, %get3A_6] : memref<2x1000x128xf32, #tpu.memory_space<vmem>>, vector<1x1000x128xf32>
    %get3A_8 = vector.shape_cast %get3A_7 : vector<1x1000x128xf32> to vector<1000x128xf32>
    %concatenate3A = tpu.concatenate %get3A_3, %get3A_8 in 1 : vector<1000x128xf32>, vector<1000x128xf32> -> vector<1000x256xf32>
    %get3A_9 = arith.constant 0 : index
    %get3A_10 = arith.constant 0 : index
    %get3A_11 = arith.constant 0 : index
    %get3A_12 = vector.load %arg2[%get3A_9, %get3A_10, %get3A_11] : memref<2x1000x128xf32, #tpu.memory_space<vmem>>, vector<1x1000x128xf32>
    %get3A_13 = vector.shape_cast %get3A_12 : vector<1x1000x128xf32> to vector<1000x128xf32>
    %get3A_14 = arith.constant 1 : index
    %get3A_15 = arith.constant 0 : index
    %get3A_16 = arith.constant 0 : index
    %get3A_17 = vector.load %arg2[%get3A_14, %get3A_15, %get3A_16] : memref<2x1000x128xf32, #tpu.memory_space<vmem>>, vector<1x1000x128xf32>
    %get3A_18 = vector.shape_cast %get3A_17 : vector<1x1000x128xf32> to vector<1000x128xf32>
    %concatenate3A_19 = tpu.concatenate %get3A_13, %get3A_18 in 1 : vector<1000x128xf32>, vector<1000x128xf32> -> vector<1000x256xf32>
    %get3A_20 = arith.constant 0 : index
    %get3A_21 = arith.constant 0 : index
    %get3A_22 = arith.constant 0 : index
    %get3A_23 = vector.load %arg3[%get3A_20, %get3A_21, %get3A_22] : memref<2x1000x128xf32, #tpu.memory_space<vmem>>, vector<1x1000x1xf32>
    %get3A_24 = vector.shape_cast %get3A_23 : vector<1x1000x1xf32> to vector<1000x1xf32>
    %get3A_25 = arith.constant 1 : index
    %get3A_26 = arith.constant 0 : index
    %get3A_27 = arith.constant 0 : index
    %get3A_28 = vector.load %arg3[%get3A_25, %get3A_26, %get3A_27] : memref<2x1000x128xf32, #tpu.memory_space<vmem>>, vector<1x1000x1xf32>
    %get3A_29 = vector.shape_cast %get3A_28 : vector<1x1000x1xf32> to vector<1000x1xf32>
    %add3A = arith.addf %get3A_24, %get3A_29 : vector<1000x1xf32>
    %add3A_30 = arith.constant 1.000000e+00 : f32
    %add3A_31 = vector.broadcast %add3A_30 : f32 to vector<1000x1xf32>
    %add3A_32 = arith.addf %add3A, %add3A_31 : vector<1000x1xf32>
    %div3A = arith.constant 1.000000e+00 : f32
    %div3A_33 = vector.broadcast %div3A : f32 to vector<1000x1xf32>
    %div3A_34 = arith.divf %div3A_33, %add3A_32 : vector<1000x1xf32>
    %add3A_35 = arith.addf %concatenate3A, %concatenate3A_19 : vector<1000x256xf32>
    %mul3A = vector.broadcast %div3A_34 : vector<1000x1xf32> to vector<1000x256xf32>
    %mul3A_36 = arith.mulf %add3A_35, %mul3A : vector<1000x256xf32>
    %get3A_37 = arith.constant 0 : index
    %get3A_38 = arith.constant 0 : index
    %get3A_39 = vector.load %arg4[%get3A_37, %get3A_38] : memref<1x256xf32, #tpu.memory_space<vmem>>, vector<1x256xf32>
    %add3A_40 = vector.broadcast %get3A_39 : vector<1x256xf32> to vector<1000x256xf32>
    %add3A_41 = arith.addf %mul3A_36, %add3A_40 : vector<1000x256xf32>
    %swap3A = arith.constant 0 : index
    %swap3A_42 = arith.constant 0 : index
    %swap3A_43 = vector.load %arg5[%swap3A, %swap3A_42] : memref<1000x256xf32, #tpu.memory_space<vmem>>, vector<1000x256xf32>
    tpu.vector_store %arg5[%swap3A, %swap3A_42], %add3A_41 {strides = array<i32>} : memref<1000x256xf32, #tpu.memory_space<vmem>>, vector<1000x256xf32>,
    return
  }
  func.func @transform_0(%arg0: i32) -> (i32, i32, i32) {
    %c0_i32 = arith.constant 0 : i32
    %c0_i32_0 = arith.constant 0 : i32
    %c0_i32_1 = arith.constant 0 : i32
    return %c0_i32, %arg0, %c0_i32_0 : i32, i32, i32
  }
  func.func @transform_1(%arg0: i32) -> (i32, i32, i32) {
    %c0_i32 = arith.constant 0 : i32
    %c0_i32_0 = arith.constant 0 : i32
    %c0_i32_1 = arith.constant 0 : i32
    return %c0_i32, %arg0, %c0_i32_0 : i32, i32, i32
  }
  func.func @transform_2(%arg0: i32) -> (i32, i32, i32) {
    %c0_i32 = arith.constant 0 : i32
    %c0_i32_0 = arith.constant 0 : i32
    %c0_i32_1 = arith.constant 0 : i32
    return %c0_i32, %arg0, %c0_i32_0 : i32, i32, i32
  }
  func.func @transform_3(%arg0: i32) -> (i32, i32) {
    %c0_i32 = arith.constant 0 : i32
    %c0_i32_0 = arith.constant 0 : i32
    %c0_i32_1 = arith.constant 0 : i32
    return %c0_i32, %c0_i32_0 : i32, i32
  }
  func.func @transform_4(%arg0: i32) -> (i32, i32) {
    %c0_i32 = arith.constant 0 : i32
    %c0_i32_0 = arith.constant 0 : i32
    return %arg0, %c0_i32 : i32, i32
  }
}

</mosaic_0001>

<sc_bundles>
// kernel: kernel.11.cloned.1.call-start
scs
__scs_entry_jumppad:
0x0: {  	(pc) =	sbr.rel $0x88, $3  }
0x1: {  	(tag) =	ssettag $0x0;
	lr =	simm.s32 $0x1  }
0x2: {  	[smem:$0x3F9B] =	sst lr;
	_ =	strace $0xD0000000  }
0x3: {  	_ = 	snop  }
0x4: {  	_ = 	snop  }
0x5: {  	_ = 	snop  }
0x6: {  	_ = 	snop  }
0x7: {  	_ = 	snop  }
__scs_overlays_trampoline_lowered:
0x8: {  	[smem:$0x3FAA] =	sst s0  }
0x9: {  	[smem:$0x3FAB] =	sst s1  }
0xa: {  	[smem:$0x3FAC] =	sst s2  }
0xb: {  	[smem:$0x3FAD] =	sst s3  }
0xc: {  	[smem:$0x3FAE] =	sst s4  }
0xd: {  	[smem:$0x3FAF] =	sst s5  }
0xe: {  	[smem:$0x3FB0] =	sst s6  }
0xf: {  	[smem:$0x3FB1] =	sst s7  }
0x10: {  	[smem:$0x3FB2] =	sst s8  }
0x11: {  	[smem:$0x3FB3] =	sst s9;
	s0 =	simm.s32 @!p0 $0x0  }
0x12: {  	s1 =	sld [smem:$0x3F99];
	s0 =	simm.s32 @p0 $0x1  }
0x13: {  	[smem:$0x3FB4] =	sst s0;
	s0 =	simm.s32 @!p1 $0x0  }
0x14: {  	s2 =	sld [smem:$0x3F98];
	s0 =	simm.s32 @p1 $0x1  }
0x15: {  	[smem:$0x3FB5] =	sst s0;
	s0 =	simm.s32 @!p2 $0x0  }
0x16: {  	s3 =	sld [smem:$0x3FDB];
	s0 =	simm.s32 @p2 $0x1  }
0x17: {  	s4 =	simm.s32 $0x1BF5;
	[smem:$0x3FB7] =	sst s0  }
0x18: {  	s0 =	sld [smem:$0x3F9A];
	_ =	swait.ge [sflag:s4], $0x0  }
0x19: {  	s7 =	sld [smem:$0x3F9B]  }
0x1a: {  	s8 =	sadd.s32 $0xFFFFE003, lr  }
0x1b: {  	s9 =	sadd.s32 $0xFFFFFEF7, lr;
	s5 =	simm.s32 $0xFFFFFFFF;
	p2 =	slt.u32 s8, $0xFFFFF086  }
0x1c: {  	p1 =	slt.u32 s9, $0xF7A;
	s5 =	simm.s32 @!p2 $0x0  }
0x1d: {  	s5 =	simm.s32 @p1 $0x1;
	p0 =	seq.s32 s7, s2  }
0x1e: {  	s7 =	smul.u32 @!p0 $0xF7A, s2;
	p2 =	seq.s32 @!p0 s5, $0x0  }
0x1f: {  	s9 =	smul.u32 $0xF7A, s1;
	s8 =	simm.s32 @!p0 $0x1BF5;
	p2 =	por !p2, p0  }
0x20: {  	[sflag:s8] =	ssyncset.s32 @!p0 $0xFFFFF086;
	s6 =	sadd.s32 @!p0 s3, s7;
	s7 =	simm.s32 @!p0 $0x108  }
0x21: {  	s3 =	sadd.s32 s3, s9;
	s6 =	sadd.s32 @!p0 $0x88, s6;
	s7 =	simm.s32 @p2 $0x1082  }
0x22: {  	[simem:s7], [sflag:s8] =	dma.local @!p0 [hbm:s6], $0xF7A  }
0x23: {  	s9 =	sor.u32 $0xD0000000, s2;
	s6 =	simm.s32 $0x108;
	_ =	swait.ge @!p0 [sflag:s8], $0x0  }
0x24: {  	s3 =	sadd.s32 $0x88, s3;
	s6 =	simm.s32 @!p1 $0x1082;
	[sflag:s4] =	ssyncset.s32 $0xFFFFF086  }
0x25: {  	[simem:s6], [sflag:s4] =	dma.local [hbm:s3], $0xF7A  }
0x26: {  	[smem:$0x3F9B] =	sst s1;
	(tag) =	ssettag s2;
	_ =	strace s9  }
0x27: {  	s1 =	sld [smem:$0x3FAB]  }
0x28: {  	s2 =	sld [smem:$0x3FAC]  }
0x29: {  	s4 =	sld [smem:$0x3FAE]  }
0x2a: {  	p0 =	seq.s32 s5, $0x0;
	s5 =	sld [smem:$0x3FAF]  }
0x2b: {  	s6 =	sld [smem:$0x3FB0]  }
0x2c: {  	s7 =	sld [smem:$0x3FB1]  }
0x2d: {  	s3 =	simm.s32 $0x108;
	s8 =	sld [smem:$0x3FB2]  }
0x2e: {  	s3 =	simm.s32 @!p0 $0x1082;
	s9 =	sld [smem:$0x3FB3]  }
0x2f: {  	lr =	sadd.s32 s0, s3;
	s0 =	sld [smem:$0x3FAA]  }
0x30: {  	s3 =	sld [smem:$0x3FAD]  }
0x31: {  	[smem:$0x3FB6] =	sst s10  }
0x32: {  	s10 =	sld [smem:$0x3FB4];
	_ =	sdelay $0x3  }
0x33: {  	p0 =	seq.s32 s10, $0x1;
	s10 =	sld [smem:$0x3FB6];
	_ =	sdelay $0x3  }
0x34: {  	[smem:$0x3FB6] =	sst s10  }
0x35: {  	s10 =	sld [smem:$0x3FB5];
	_ =	sdelay $0x3  }
0x36: {  	p1 =	seq.s32 s10, $0x1;
	s10 =	sld [smem:$0x3FB6];
	_ =	sdelay $0x3  }
0x37: {  	[smem:$0x3FB6] =	sst s10  }
0x38: {  	s10 =	sld [smem:$0x3FB7]  }
0x39: {  	_ = 	snop;
	(pc) =	sbr.ind lr, $3  }
0x3a: {  	_ = 	snop  }
0x3b: {  	_ = 	snop  }
0x3c: {  	p2 =	seq.s32 s10, $0x1;
	s10 =	sld [smem:$0x3FB6]  }
0x3d: {  	_ =	shalt  }
0x3e: {  	_ =	shalt  }
0x3f: {  	_ =	shalt  }
0x40: {  	_ =	shalt  }
0x41: {  	_ =	shalt  }
0x42: {  	_ =	shalt  }
0x43: {  	_ =	shalt  }
0x44: {  	_ =	shalt  }
0x45: {  	_ =	shalt  }
0x46: {  	_ =	shalt  }
0x47: {  	_ =	shalt  }
0x48: {  	_ =	shalt  }
0x49: {  	_ =	shalt  }
0x4a: {  	_ =	shalt  }
0x4b: {  	_ =	shalt  }
0x4c: {  	_ =	shalt  }
0x4d: {  	_ =	shalt  }
0x4e: {  	_ =	shalt  }
0x4f: {  	_ =	shalt  }
0x50: {  	_ =	shalt  }
0x51: {  	_ =	shalt  }
0x52: {  	_ =	shalt  }
0x53: {  	_ =	shalt  }
0x54: {  	_ =	shalt  }
0x55: {  	_ =	shalt  }
0x56: {  	_ =	shalt  }
0x57: {  	_ =	shalt  }
0x58: {  	_ =	shalt  }
0x59: {  	_ =	shalt  }
0x5a: {  	_ =	shalt  }
0x5b: {  	_ =	shalt  }
0x5c: {  	_ =	shalt  }
0x5d: {  	_ =	shalt  }
0x5e: {  	_ =	shalt  }
0x5f: {  	_ =	shalt  }
0x60: {  	_ =	shalt  }
0x61: {  	_ =	shalt  }
0x62: {  	_ =	shalt  }
0x63: {  	_ =	shalt  }
0x64: {  	_ =	shalt  }
0x65: {  	_ =	shalt  }
0x66: {  	_ =	shalt  }
0x67: {  	_ =	shalt  }
0x68: {  	_ =	shalt  }
0x69: {  	_ =	shalt  }
0x6a: {  	_ =	shalt  }
0x6b: {  	_ =	shalt  }
0x6c: {  	_ =	shalt  }
0x6d: {  	_ =	shalt  }
0x6e: {  	_ =	shalt  }
0x6f: {  	_ =	shalt  }
0x70: {  	_ =	shalt  }
0x71: {  	_ =	shalt  }
0x72: {  	_ =	shalt  }
0x73: {  	_ =	shalt  }
0x74: {  	_ =	shalt  }
0x75: {  	_ =	shalt  }
0x76: {  	_ =	shalt  }
0x77: {  	_ =	shalt  }
0x78: {  	_ =	shalt  }
0x79: {  	_ =	shalt  }
0x7a: {  	_ =	shalt  }
0x7b: {  	_ =	shalt  }
0x7c: {  	_ =	shalt  }
0x7d: {  	_ =	shalt  }
0x7e: {  	_ =	shalt  }
0x7f: {  	_ =	shalt  }
0x80: {  	_ =	shalt  }
0x81: {  	_ =	shalt  }
0x82: {  	_ =	shalt  }
0x83: {  	_ =	shalt  }
0x84: {  	_ =	shalt  }
0x85: {  	_ =	shalt  }
0x86: {  	_ =	shalt  }
0x87: {  	_ =	shalt  }
.Lfunc_end0:
.L_simem_size_0:
called_computation.1_lowered:
.L_overlay_start_0:
0x88: {  	s2 =	sld [smem:$0x3FD9]  }
0x89: {  	s3 =	sld [smem:$0x3FFE];
	_ =	sdelay $0x1  }
0x8a: {  	s1 =	srdreg.scid  }
0x8b: {  	s0 =	sand.u32 $0x1, s1  }
0x8c: {  	s17 =	sshll.u32 s0, $0xA;
	s2 =	sadd.s32 s3, s2  }
0x8d: {  	s2 =	sadd.s32 s2, s17  }
0x8e: {  	[smem:$0x3FC2] =	sst s2  }
0x8f: {  	_ = 	snop  }
0x90: {  	s2 =	sld [smem:$0x3FD0];
	(tm) =	ssettm $0x1  }
0x91: {  	s18 =	sld [smem:$0x3FFB];
	_ =	sdelay $0x3  }
0x92: {  	_ =	strace s18  }
0x93: {  	s3 =	sld [smem:$0x3FFC];
	_ =	sdelay $0x3  }
0x94: {  	_ =	strace s3  }
0x95: {  	s3 =	sld [smem:$0x3FFD];
	_ =	sdelay $0x3  }
0x96: {  	_ =	strace s3  }
0x97: {  	_ =	strace $0x8FFFFFFF  }
0x98: {  	s19 =	sld [smem:$0x3FDB];
	_ =	sdelay $0x1  }
0x99: {  	s4 =	simm.s32 $_scs_section_size  }
0x9a: {  	s5 =	simm.s32 $_size__tile_overlayer_lowered;
	s6 =	simm.s32 $_tile_overlayer_lowered  }
0x9b: {  	s22 =	simm.s32 $0x1BFF;
	s21 =	sshll.u32 s6, $0x1;
	s3 =	sadd.s32 s4, s19  }
0x9c: {  	s7 =	simm.s32 $0x0;
	s20 =	sshll.u32 s5, $0x1;
	s5 =	sadd.s32 s21, s3  }
0x9d: {  	[timem:s7], [sflag:s22] =	dma.local [hbm:s5], s20  }
0x9e: {  	_ =	swait.ge [sflag:s22], s20  }
0x9f: {  	s4 =	ssub.s32 $0x0, s20;
	[sflag:s22] =	ssyncset.done $0x0  }
0xa0: {  	[sflag:s22] =	ssyncadd.s32 s4;
	_ =	sdelay $0x1  }
0xa1: {  	s23 =	simm.s32 $0x1B8B  }
0xa2: {  	_ =	swait.ge [sflag:s23], $0x1  }
0xa3: {  	[sflag:s23] =	ssyncset.done $0x0  }
0xa4: {  	s25 =	simm.s32 $0x1B8E;
	s24 =	sld [smem:$0x3FFE];
	[sflag:s23] =	ssyncadd.s32 $0xFFFFFFFF  }
0xa5: {  	s26 =	simm.s32 $execute0_lowered;
	[smem:$0x3FD2] =	sst s25  }
0xa6: {  	s5 =	sshll.u32 s26, $0x1;
	_ =	strace $0x80000046;
	[dreg:$0x1] =	wrdreg $0xFFFFFFFF  }
0xa7: {  	s28 =	simm.s32 $_size_execute0_lowered;
	s3 =	sadd.s32 s3, s5;
	[dreg:$0x0] =	wrdreg $0x0  }
0xa8: {  	s5 =	sshll.u32 s28, $0x1;
	[dreg:$0x2] =	wrdreg s3  }
0xa9: {  	[dreg:$0x3] =	wrdreg s5  }
0xaa: {  	[dreg:$0x4] =	wrdreg $0xC0  }
0xab: {  	_ =	task [dreg:s7], $0x5FFFF  }
0xac: {  	[dreg:$0x1] =	wrdreg $0xFFFFFFFF  }
0xad: {  	[dreg:$0x0] =	wrdreg $0x60  }
0xae: {  	[dreg:$0x2] =	wrdreg s2  }
0xaf: {  	[dreg:$0x3] =	wrdreg s24  }
0xb0: {  	[dreg:$0x4] =	wrdreg $0xA8000  }
0xb1: {  	[dreg:$0x5] =	wrdreg $0xA  }
0xb2: {  	_ =	task.clear_ibuf [dreg:s7], $0x6FFFF;
	_ =	strace $0x90000046  }
0xb3: {  	s29 =	simm.s32 $0xA;
	_ =	strace $0x80000048  }
0xb4: {  	_ =	swait.ge [sflag:s29], $0x1  }
0xb5: {  	[sflag:s29] =	ssyncadd.s32 $0xFFFFFFFF  }
0xb6: {  	_ =	strace $0x90000048  }
0xb7: {  	_ =	sfence  }
0xb8: {  	s30 =	sld [smem:$0x0];
	_ =	sdelay $0x2  }
0xb9: {  	s31 =	sshll.u32 s1, $0xD;
	s1 =	sshrl.u32 s1, $0x2  }
0xba: {  	s3 =	sand.u32 $0x4000, s31;
	s1 =	sadd.s32 s1, s30  }
0xbb: {  	s0 =	sor.u32 s3, s0;
	s1 =	sshll.u32 s1, $0x11  }
0xbc: {  	s0 =	sor.u32 s1, s0  }
0xbd: {  	s0 =	sadd.s32 $0x8F2B, s0  }
0xbe: {  	[sflag:s0] =	ssyncadd.remote.s32 $0x1  }
0xbf: {  	_ =	sfence.sel $0xFFFF  }
0xc0: {  	[dreg:$0x0] =	wrdreg $0xFFFFFFFF;
	(pc) =	sbr.abs _section_cstart, $3  }
0xc1: {  	[dreg:$0x1] =	wrdreg $0xFFFFFFFF  }
0xc2: {  	_ =	task.clear_ibuf [dreg:s7], $0x2FFFF;
	_ =	strace $0x9FFFFFFF  }
0xc3: {  	(tm) =	ssettm $0x7FFFFFFF  }
tec
execute0_lowered:
.L_overlay_start_1:
0x0: {  	(tag) =	ssettag $0x1  }
0x1: {  	s1 =	rddreg [dreg:$0x0]  }
0x2: {  	s0 =	srdreg.scid;
	s7 =	rddreg [dreg:$0x1]  }
0x3: {  	s3 =	rddreg [dreg:$0x2];
	s4 =	simm.s32 $0x0;
	s6 =	sand.u32 $0x1, s0  }
0x4: {  	s18 =	simm.s32 $0x2800;
	s0 =	stileid.u32;
	s5 =	smul.u32 $0x28000, s6  }
0x5: {  	s19 =	simm.s32 $0x1;
	s20 =	simm.s32 $0x6800;
	s8 =	smul.u32 $0x2800, s0  }
0x6: {  	s21 =	simm.s32 $0x2;
	s28 =	simm.s32 $0x4;
	s10 =	smul.u32 $0x4F000, s0  }
0x7: {  	s29 =	simm.s32 $0x0;
	[smem:$0x7FF] =	sst s4;
	s26 =	smul.u32 $0x138800, s6  }
0x8: {  	s13 =	sadd.s32 $0x13200, s7;
	_ =	strace $0x80000047;
	s16 =	smul.u32 $0x13800, s0  }
0x9: {  	s23 =	ssub.s32 $0x2, s6;
	s25 =	sshll.u32 s0, $0x6;
	s17 =	smul.u32 $0x4E000, s0  }
0xa: {  	p0 =	sne.s32 s0, $0xF;
	s12 =	sshrl.u32 s23, $0x1;
	s6 =	sor.u32 $0x1C05, s25  }
0xb: {  	s25 =	sadd.s32 $0x138000, s3;
	s5 =	sadd.s32 s8, s5;
	s22 =	sshrl.u32 s8, $0x3  }
0xc: {  	s14 =	ssub.s32 s23, s12;
	s24 =	sshrl.u32 s10, $0x2;
	s30 =	sadd.s32 s16, s26  }
0xd: {  	s12 =	sshrl.u32 s26, $0x3;
	s31 =	sshrl.u32 s17, $0x2;
	s16 =	simm.s32 $0x1400  }
0xe: {  	s17 =	simm.s32 $0x80;
	s23 =	simm.s32 $0x3;
	s25 =	sshrl.u32 @!p0 s25, $0x3  }
0xf: {  	s26 =	simm.s32 $0x100;
	s5 =	sshrl.u32 s5, $0x3;
	s11 =	sadd.s32 s22, s7  }
0x10: {  	s15 =	sadd.s32 s24, s3;
	s12 =	sadd.s32 s13, s12;
	s24 =	sadd.s32 s31, s3  }
.Ltmp0:
0x11: {  	s22 =	simm.s32 $0x1480;
	s9 =	sadd.s32 s5, s7;
	(pc) =	sbr.rel .LBB2_1-.Ltmp0, $4  }
0x12: {  	s5 =	sadd.s32 $0x10A00, s7;
	s8 =	sadd.s32 $0x1A00, s11;
	s10 =	sadd.s32 $0x1C80, s11  }
0x13: {  	s11 =	sshrl.u32 s30, $0x3;
	s12 =	sadd.s32 $0x27000, s12;
	s24 =	sshrl.u32 s24, $0x3  }
0x14: {  	s7 =	sadd.s32 $0x6A00, s9;
	s9 =	sadd.s32 $0x6C80, s9;
	s11 =	sadd.s32 s13, s11  }
0x15: {  	s13 =	smax.u32 s14, $0x1;
	s14 =	sshrl.u32 s15, $0x3;
	s15 =	simm.s32 $0x5  }
.LBB2_7:
0x16: {  	_ =	swait.ge [sflag:s28], $0x4000  }
0x17: {  	[sflag:s28] =	ssyncset.done $0x0  }
0x18: {  	[sflag:s28] =	ssyncadd.s32 $0xFFFFC000  }
0x19: {  	[bflag:$0x0] =	sbarrier.arrive $0xFFFF  }
0x1a: {  	[hbm:s11], [sflag:s6] =	dma.local [spmem:s24], $0x2700  }
0x1b: {  	s29 =	sadd.s32 $0x1, s29;
	_ =	swait.ge [sflag:s15], $0x2700  }
0x1c: {  	p1 =	sne.s32 s29, s13;
	[sflag:s15] =	ssyncset.done $0x0  }
.Ltmp1:
0x1d: {  	s2 =	simm.s32 @!p0 $0x5;
	[sflag:s15] =	ssyncadd.s32 $0xFFFFD900;
	(pc) =	sbr.rel @!p1 .LBB2_8-.Ltmp1, $4  }
0x1e: {  	[hbm:s12], [sflag:s6] =	dma.local @!p0 [spmem:s25], $0x100  }
0x1f: {  	_ =	swait.ge @!p0 [sflag:s2], $0x100  }
0x20: {  	[sflag:s2] =	ssyncset.done @!p0 $0x0  }
0x21: {  	[sflag:s2] =	ssyncadd.s32 @!p0 $0xFFFFFF00  }
.LBB2_1:
0x22: {  	[spmem:s14], [sflag:s6] =	dma.local [hbm:s5], $0x2780  }
0x23: {  	_ =	swait.ge [sflag:s15], $0x2780  }
0x24: {  	[sflag:s15] =	ssyncset.done $0x0  }
0x25: {  	[sflag:s15] =	ssyncadd.s32 $0xFFFFD880  }
0x26: {  	[bflag:$0x0] =	sbarrier.arrive $0xFFFF  }
0x27: {  	[tilespmem:s4], [sflag:$0x5] =	stream.linear.gather [hbm4b:s7+s4], $0x1400, $0x38;
	[tilespmem:$0x1E400] =	vst v63  }
0x28: {  	_ =	swait.ge [sflag:s15], $0x1400  }
0x29: {  	[sflag:s15] =	ssyncset.done $0x0  }
0x2a: {  	[sflag:s15] =	ssyncadd.s32 $0xFFFFEC00  }
0x2b: {  	[tilespmem:s16], [sflag:$0x5] =	stream.linear.gather [hbm4b:s8+s4], $0x1400, $0x38;
	[tilespmem:$0x1E400] =	vst v63  }
0x2c: {  	_ =	swait.ge [sflag:s15], $0x1400  }
0x2d: {  	[sflag:s15] =	ssyncset.done $0x0  }
0x2e: {  	[sflag:s15] =	ssyncadd.s32 $0xFFFFEC00  }
0x2f: {  	[tilespmem:s18], [sflag:$0x1] =	stream.indirect.gather [hbm4b:s1+s17], $0x80, s4, s17, $0xb8;
	[tilespmem:$0x1E400] =	vst v63  }
0x30: {  	_ =	swait.ge [sflag:s19], $0x4000  }
0x31: {  	[sflag:s19] =	ssyncset.done $0x0  }
0x32: {  	[sflag:s19] =	ssyncadd.s32 $0xFFFFC000  }
0x33: {  	[spmem:s3] =	stream.indirect.scatter.add.f32 [tilespmem:s18], [sflag:$0x3], $0x80, s16, s17, $0xb8;
	[tilespmem:$0x1E400] =	vst v63  }
0x34: {  	_ = 	snop  }
0x35: {  	[tilespmem:s20], [sflag:$0x2] =	stream.indirect.gather [hbm4b:s1+s17], $0x80, s17, s17, $0xb8;
	[tilespmem:$0x1E400] =	vst v63  }
0x36: {  	_ =	swait.ge [sflag:s21], $0x4000  }
0x37: {  	[sflag:s21] =	ssyncset.done $0x0  }
0x38: {  	[sflag:s21] =	ssyncadd.s32 $0xFFFFC000  }
0x39: {  	[spmem:s3] =	stream.indirect.scatter.add.f32 [tilespmem:s20], [sflag:$0x4], $0x80, s22, s17, $0xb8;
	[tilespmem:$0x1E400] =	vst v63  }
0x3a: {  	_ =	swait.ge [sflag:s23], $0x4000  }
0x3b: {  	[sflag:s23] =	ssyncset.done $0x0  }
0x3c: {  	s30 =	simm.s32 $0xFFFFB800;
	[sflag:s23] =	ssyncadd.s32 $0xFFFFC000  }
0x3d: {  	[tilespmem:s18], [sflag:$0x1] =	stream.indirect.gather [hbm4b:s1+s17], $0x80, s26, s17, $0xb8;
	[tilespmem:$0x1E400] =	vst v63  }
.LBB2_2:
0x3e: {  	_ =	swait.ge [sflag:s19], $0x4000  }
0x3f: {  	s31 =	sshra.s32 s30, $0x2;
	[sflag:s19] =	ssyncset.done $0x0  }
0x40: {  	s2 =	sadd.s32 $0x2700, s31;
	[sflag:s19] =	ssyncadd.s32 $0xFFFFC000  }
0x41: {  	[spmem:s3] =	stream.indirect.scatter.add.f32 [tilespmem:s18], [sflag:$0x3], $0x80, s2, s17, $0xb8;
	[tilespmem:$0x1E400] =	vst v63  }
0x42: {  	_ =	swait.ge [sflag:s28], $0x4000  }
0x43: {  	[sflag:s28] =	ssyncset.done $0x0  }
0x44: {  	s2 =	sadd.s32 $0x1380, s31;
	[sflag:s28] =	ssyncadd.s32 $0xFFFFC000  }
0x45: {  	[tilespmem:s20], [sflag:$0x2] =	stream.indirect.gather [hbm4b:s1+s17], $0x80, s2, s17, $0xb8;
	[tilespmem:$0x1E400] =	vst v63  }
0x46: {  	_ =	swait.ge [sflag:s21], $0x4000  }
0x47: {  	p1 =	seq.s32 s30, $0x0;
	[sflag:s21] =	ssyncset.done $0x0  }
.Ltmp2:
0x48: {  	s2 =	sadd.s32 $0x2780, s31;
	[sflag:s21] =	ssyncadd.s32 $0xFFFFC000;
	(pc) =	sbr.rel @p1 .LBB2_4-.Ltmp2, $4  }
0x49: {  	[spmem:s3] =	stream.indirect.scatter.add.f32 [tilespmem:s20], [sflag:$0x4], $0x80, s2, s17, $0xb8;
	[tilespmem:$0x1E400] =	vst v63  }
0x4a: {  	_ =	swait.ge [sflag:s23], $0x4000  }
0x4b: {  	[sflag:s23] =	ssyncset.done $0x0  }
0x4c: {  	[sflag:s23] =	ssyncadd.s32 $0xFFFFC000  }
.Ltmp3:
0x4d: {  	(pc) =	sbr.rel .LBB2_2-.Ltmp3, $3  }
0x4e: {  	_ =	sdelay $0x1  }
0x4f: {  	s2 =	sadd.s32 $0x1400, s31;
	s30 =	sadd.s32 $0x400, s30  }
0x50: {  	[tilespmem:s18], [sflag:$0x1] =	stream.indirect.gather [hbm4b:s1+s17], $0x80, s2, s17, $0xb8;
	[tilespmem:$0x1E400] =	vst v63  }
.LBB2_4:
0x51: {  	_ =	swait.ge [sflag:s28], $0x4000  }
0x52: {  	[sflag:s28] =	ssyncset.done $0x0  }
0x53: {  	[sflag:s28] =	ssyncadd.s32 $0xFFFFC000  }
0x54: {  	[tilespmem:s4], [sflag:$0x5] =	stream.linear.gather [hbm4b:s9+s4], $0x1400, $0x38;
	[tilespmem:$0x1E400] =	vst v63  }
0x55: {  	_ =	swait.ge [sflag:s15], $0x1400  }
0x56: {  	[sflag:s15] =	ssyncset.done $0x0  }
0x57: {  	[sflag:s15] =	ssyncadd.s32 $0xFFFFEC00  }
0x58: {  	[tilespmem:s16], [sflag:$0x5] =	stream.linear.gather [hbm4b:s10+s4], $0x1400, $0x38;
	[tilespmem:$0x1E400] =	vst v63  }
0x59: {  	_ =	swait.ge [sflag:s15], $0x1400  }
0x5a: {  	[sflag:s15] =	ssyncset.done $0x0  }
0x5b: {  	[sflag:s15] =	ssyncadd.s32 $0xFFFFEC00  }
0x5c: {  	[tilespmem:s18], [sflag:$0x1] =	stream.indirect.gather [hbm4b:s1+s17], $0x80, s4, s17, $0xb8;
	[tilespmem:$0x1E400] =	vst v63  }
0x5d: {  	_ =	swait.ge [sflag:s19], $0x4000  }
0x5e: {  	[sflag:s19] =	ssyncset.done $0x0  }
0x5f: {  	[sflag:s19] =	ssyncadd.s32 $0xFFFFC000  }
0x60: {  	[spmem:s3] =	stream.indirect.scatter.add.f32 [tilespmem:s18], [sflag:$0x3], $0x80, s16, s17, $0xb8;
	[tilespmem:$0x1E400] =	vst v63  }
0x61: {  	_ = 	snop  }
0x62: {  	[tilespmem:s20], [sflag:$0x2] =	stream.indirect.gather [hbm4b:s1+s17], $0x80, s17, s17, $0xb8;
	[tilespmem:$0x1E400] =	vst v63  }
0x63: {  	_ =	swait.ge [sflag:s21], $0x4000  }
0x64: {  	[sflag:s21] =	ssyncset.done $0x0  }
0x65: {  	[sflag:s21] =	ssyncadd.s32 $0xFFFFC000  }
0x66: {  	[spmem:s3] =	stream.indirect.scatter.add.f32 [tilespmem:s20], [sflag:$0x4], $0x80, s22, s17, $0xb8;
	[tilespmem:$0x1E400] =	vst v63  }
0x67: {  	_ =	swait.ge [sflag:s23], $0x4000  }
0x68: {  	[sflag:s23] =	ssyncset.done $0x0  }
0x69: {  	s30 =	simm.s32 $0xFFFFB800;
	[sflag:s23] =	ssyncadd.s32 $0xFFFFC000  }
0x6a: {  	[tilespmem:s18], [sflag:$0x1] =	stream.indirect.gather [hbm4b:s1+s17], $0x80, s26, s17, $0xb8;
	[tilespmem:$0x1E400] =	vst v63  }
.LBB2_5:
0x6b: {  	_ =	swait.ge [sflag:s19], $0x4000  }
0x6c: {  	s31 =	sshra.s32 s30, $0x2;
	[sflag:s19] =	ssyncset.done $0x0  }
0x6d: {  	s2 =	sadd.s32 $0x2700, s31;
	[sflag:s19] =	ssyncadd.s32 $0xFFFFC000  }
0x6e: {  	[spmem:s3] =	stream.indirect.scatter.add.f32 [tilespmem:s18], [sflag:$0x3], $0x80, s2, s17, $0xb8;
	[tilespmem:$0x1E400] =	vst v63  }
0x6f: {  	_ =	swait.ge [sflag:s28], $0x4000  }
0x70: {  	[sflag:s28] =	ssyncset.done $0x0  }
0x71: {  	s2 =	sadd.s32 $0x1380, s31;
	[sflag:s28] =	ssyncadd.s32 $0xFFFFC000  }
0x72: {  	[tilespmem:s20], [sflag:$0x2] =	stream.indirect.gather [hbm4b:s1+s17], $0x80, s2, s17, $0xb8;
	[tilespmem:$0x1E400] =	vst v63  }
0x73: {  	_ =	swait.ge [sflag:s21], $0x4000  }
0x74: {  	p1 =	seq.s32 s30, $0x0;
	[sflag:s21] =	ssyncset.done $0x0  }
.Ltmp4:
0x75: {  	s2 =	sadd.s32 $0x2780, s31;
	[sflag:s21] =	ssyncadd.s32 $0xFFFFC000;
	(pc) =	sbr.rel @p1 .LBB2_7-.Ltmp4, $4  }
0x76: {  	[spmem:s3] =	stream.indirect.scatter.add.f32 [tilespmem:s20], [sflag:$0x4], $0x80, s2, s17, $0xb8;
	[tilespmem:$0x1E400] =	vst v63  }
0x77: {  	_ =	swait.ge [sflag:s23], $0x4000  }
0x78: {  	[sflag:s23] =	ssyncset.done $0x0  }
0x79: {  	[sflag:s23] =	ssyncadd.s32 $0xFFFFC000  }
.Ltmp5:
0x7a: {  	(pc) =	sbr.rel .LBB2_5-.Ltmp5, $3  }
0x7b: {  	_ =	sdelay $0x1  }
0x7c: {  	s2 =	sadd.s32 $0x1400, s31;
	s30 =	sadd.s32 $0x400, s30  }
0x7d: {  	[tilespmem:s18], [sflag:$0x1] =	stream.indirect.gather [hbm4b:s1+s17], $0x80, s2, s17, $0xb8;
	[tilespmem:$0x1E400] =	vst v63  }
.LBB2_8:
0x7e: {  	_ =	sfence.sel $0x180000  }
0x7f: {  	[bflag:$0x0] =	sbarrier.arrive $0xFFFF  }
0x80: {  	_ =	strace $0x90000047  }
0x81: {  	[bflag:$0x2] =	sbarrier.arrive $0xFFFF  }
0x82: {  	p0 =	sne.s32 s0, $0x0;
	s0 =	rddreg [dreg:$0x3]  }
0x83: {  	s0 =	sadd.s32 @!p0 $0x100000, s0  }
0x84: {  	[sflag:s0] =	ssyncadd.tile.s32 @!p0 $0x1;
	_ =	shalt  }
.Lfunc_end2:
_tile_overlayer_lowered:
.L_overlay_start_2:
0x85: {  	(tag) =	ssettag $0x2  }
0x86: {  	s0 =	rddreg [dreg:$0x0];
	s2 =	stileid.u32  }
0x87: {  	s1 =	rddreg [dreg:$0x1];
	p0 =	sne.s32 s2, $0x0  }
0x88: {  	s3 =	rddreg [dreg:$0x2];
	[bflag:$0x3] =	sbarrier.arrive $0xFFFF;
	s2 =	simm.s32 @!p0 $0x1C05  }
0x89: {  	[timem:s3], [sflag:s2] =	dma.local @!p0 [hbm:s0], s1  }
0x8a: {  	s0 =	simm.s32 @!p0 $0x5  }
0x8b: {  	_ =	swait.ge @!p0 [sflag:s0], s1  }
0x8c: {  	s1 =	ssub.s32 @!p0 $0x0, s1;
	[sflag:s0] =	ssyncset.done @!p0 $0x0  }
0x8d: {  	[sflag:s0] =	ssyncadd.s32 @!p0 s1  }
0x8e: {  	[bflag:$0x3] =	sbarrier.arrive $0xFFFF  }
0x8f: {  	_ =	shalt  }

// kernel: kernel.14.cloned.1.call-start
scs
__scs_entry_jumppad:
0x0: {  	(pc) =	sbr.rel $0x88, $3  }
0x1: {  	(tag) =	ssettag $0x0;
	lr =	simm.s32 $0x1  }
0x2: {  	[smem:$0x3F9B] =	sst lr;
	_ =	strace $0xD0000000  }
0x3: {  	_ = 	snop  }
0x4: {  	_ = 	snop  }
0x5: {  	_ = 	snop  }
0x6: {  	_ = 	snop  }
0x7: {  	_ = 	snop  }
__scs_overlays_trampoline_lowered:
0x8: {  	[smem:$0x3FAA] =	sst s0  }
0x9: {  	[smem:$0x3FAB] =	sst s1  }
0xa: {  	[smem:$0x3FAC] =	sst s2  }
0xb: {  	[smem:$0x3FAD] =	sst s3  }
0xc: {  	[smem:$0x3FAE] =	sst s4  }
0xd: {  	[smem:$0x3FAF] =	sst s5  }
0xe: {  	[smem:$0x3FB0] =	sst s6  }
0xf: {  	[smem:$0x3FB1] =	sst s7  }
0x10: {  	[smem:$0x3FB2] =	sst s8  }
0x11: {  	[smem:$0x3FB3] =	sst s9;
	s0 =	simm.s32 @!p0 $0x0  }
0x12: {  	s1 =	sld [smem:$0x3F99];
	s0 =	simm.s32 @p0 $0x1  }
0x13: {  	[smem:$0x3FB4] =	sst s0;
	s0 =	simm.s32 @!p1 $0x0  }
0x14: {  	s2 =	sld [smem:$0x3F98];
	s0 =	simm.s32 @p1 $0x1  }
0x15: {  	[smem:$0x3FB5] =	sst s0;
	s0 =	simm.s32 @!p2 $0x0  }
0x16: {  	s3 =	sld [smem:$0x3FDB];
	s0 =	simm.s32 @p2 $0x1  }
0x17: {  	s4 =	simm.s32 $0x1BF5;
	[smem:$0x3FB7] =	sst s0  }
0x18: {  	s0 =	sld [smem:$0x3F9A];
	_ =	swait.ge [sflag:s4], $0x0  }
0x19: {  	s7 =	sld [smem:$0x3F9B]  }
0x1a: {  	s8 =	sadd.s32 $0xFFFFE003, lr  }
0x1b: {  	s9 =	sadd.s32 $0xFFFFFEF7, lr;
	s5 =	simm.s32 $0xFFFFFFFF;
	p2 =	slt.u32 s8, $0xFFFFF086  }
0x1c: {  	p1 =	slt.u32 s9, $0xF7A;
	s5 =	simm.s32 @!p2 $0x0  }
0x1d: {  	s5 =	simm.s32 @p1 $0x1;
	p0 =	seq.s32 s7, s2  }
0x1e: {  	s7 =	smul.u32 @!p0 $0xF7A, s2;
	p2 =	seq.s32 @!p0 s5, $0x0  }
0x1f: {  	s9 =	smul.u32 $0xF7A, s1;
	s8 =	simm.s32 @!p0 $0x1BF5;
	p2 =	por !p2, p0  }
0x20: {  	[sflag:s8] =	ssyncset.s32 @!p0 $0xFFFFF086;
	s6 =	sadd.s32 @!p0 s3, s7;
	s7 =	simm.s32 @!p0 $0x108  }
0x21: {  	s3 =	sadd.s32 s3, s9;
	s6 =	sadd.s32 @!p0 $0x88, s6;
	s7 =	simm.s32 @p2 $0x1082  }
0x22: {  	[simem:s7], [sflag:s8] =	dma.local @!p0 [hbm:s6], $0xF7A  }
0x23: {  	s9 =	sor.u32 $0xD0000000, s2;
	s6 =	simm.s32 $0x108;
	_ =	swait.ge @!p0 [sflag:s8], $0x0  }
0x24: {  	s3 =	sadd.s32 $0x88, s3;
	s6 =	simm.s32 @!p1 $0x1082;
	[sflag:s4] =	ssyncset.s32 $0xFFFFF086  }
0x25: {  	[simem:s6], [sflag:s4] =	dma.local [hbm:s3], $0xF7A  }
0x26: {  	[smem:$0x3F9B] =	sst s1;
	(tag) =	ssettag s2;
	_ =	strace s9  }
0x27: {  	s1 =	sld [smem:$0x3FAB]  }
0x28: {  	s2 =	sld [smem:$0x3FAC]  }
0x29: {  	s4 =	sld [smem:$0x3FAE]  }
0x2a: {  	p0 =	seq.s32 s5, $0x0;
	s5 =	sld [smem:$0x3FAF]  }
0x2b: {  	s6 =	sld [smem:$0x3FB0]  }
0x2c: {  	s7 =	sld [smem:$0x3FB1]  }
0x2d: {  	s3 =	simm.s32 $0x108;
	s8 =	sld [smem:$0x3FB2]  }
0x2e: {  	s3 =	simm.s32 @!p0 $0x1082;
	s9 =	sld [smem:$0x3FB3]  }
0x2f: {  	lr =	sadd.s32 s0, s3;
	s0 =	sld [smem:$0x3FAA]  }
0x30: {  	s3 =	sld [smem:$0x3FAD]  }
0x31: {  	[smem:$0x3FB6] =	sst s10  }
0x32: {  	s10 =	sld [smem:$0x3FB4];
	_ =	sdelay $0x3  }
0x33: {  	p0 =	seq.s32 s10, $0x1;
	s10 =	sld [smem:$0x3FB6];
	_ =	sdelay $0x3  }
0x34: {  	[smem:$0x3FB6] =	sst s10  }
0x35: {  	s10 =	sld [smem:$0x3FB5];
	_ =	sdelay $0x3  }
0x36: {  	p1 =	seq.s32 s10, $0x1;
	s10 =	sld [smem:$0x3FB6];
	_ =	sdelay $0x3  }
0x37: {  	[smem:$0x3FB6] =	sst s10  }
0x38: {  	s10 =	sld [smem:$0x3FB7]  }
0x39: {  	_ = 	snop;
	(pc) =	sbr.ind lr, $3  }
0x3a: {  	_ = 	snop  }
0x3b: {  	_ = 	snop  }
0x3c: {  	p2 =	seq.s32 s10, $0x1;
	s10 =	sld [smem:$0x3FB6]  }
0x3d: {  	_ =	shalt  }
0x3e: {  	_ =	shalt  }
0x3f: {  	_ =	shalt  }
0x40: {  	_ =	shalt  }
0x41: {  	_ =	shalt  }
0x42: {  	_ =	shalt  }
0x43: {  	_ =	shalt  }
0x44: {  	_ =	shalt  }
0x45: {  	_ =	shalt  }
0x46: {  	_ =	shalt  }
0x47: {  	_ =	shalt  }
0x48: {  	_ =	shalt  }
0x49: {  	_ =	shalt  }
0x4a: {  	_ =	shalt  }
0x4b: {  	_ =	shalt  }
0x4c: {  	_ =	shalt  }
0x4d: {  	_ =	shalt  }
0x4e: {  	_ =	shalt  }
0x4f: {  	_ =	shalt  }
0x50: {  	_ =	shalt  }
0x51: {  	_ =	shalt  }
0x52: {  	_ =	shalt  }
0x53: {  	_ =	shalt  }
0x54: {  	_ =	shalt  }
0x55: {  	_ =	shalt  }
0x56: {  	_ =	shalt  }
0x57: {  	_ =	shalt  }
0x58: {  	_ =	shalt  }
0x59: {  	_ =	shalt  }
0x5a: {  	_ =	shalt  }
0x5b: {  	_ =	shalt  }
0x5c: {  	_ =	shalt  }
0x5d: {  	_ =	shalt  }
0x5e: {  	_ =	shalt  }
0x5f: {  	_ =	shalt  }
0x60: {  	_ =	shalt  }
0x61: {  	_ =	shalt  }
0x62: {  	_ =	shalt  }
0x63: {  	_ =	shalt  }
0x64: {  	_ =	shalt  }
0x65: {  	_ =	shalt  }
0x66: {  	_ =	shalt  }
0x67: {  	_ =	shalt  }
0x68: {  	_ =	shalt  }
0x69: {  	_ =	shalt  }
0x6a: {  	_ =	shalt  }
0x6b: {  	_ =	shalt  }
0x6c: {  	_ =	shalt  }
0x6d: {  	_ =	shalt  }
0x6e: {  	_ =	shalt  }
0x6f: {  	_ =	shalt  }
0x70: {  	_ =	shalt  }
0x71: {  	_ =	shalt  }
0x72: {  	_ =	shalt  }
0x73: {  	_ =	shalt  }
0x74: {  	_ =	shalt  }
0x75: {  	_ =	shalt  }
0x76: {  	_ =	shalt  }
0x77: {  	_ =	shalt  }
0x78: {  	_ =	shalt  }
0x79: {  	_ =	shalt  }
0x7a: {  	_ =	shalt  }
0x7b: {  	_ =	shalt  }
0x7c: {  	_ =	shalt  }
0x7d: {  	_ =	shalt  }
0x7e: {  	_ =	shalt  }
0x7f: {  	_ =	shalt  }
0x80: {  	_ =	shalt  }
0x81: {  	_ =	shalt  }
0x82: {  	_ =	shalt  }
0x83: {  	_ =	shalt  }
0x84: {  	_ =	shalt  }
0x85: {  	_ =	shalt  }
0x86: {  	_ =	shalt  }
0x87: {  	_ =	shalt  }
.Lfunc_end0:
.L_simem_size_0:
called_computation.2_lowered:
.L_overlay_start_0:
0x88: {  	s2 =	sld [smem:$0x3FD9]  }
0x89: {  	s3 =	sld [smem:$0x3FFE];
	_ =	sdelay $0x1  }
0x8a: {  	s1 =	srdreg.scid  }
0x8b: {  	s0 =	sand.u32 $0x1, s1  }
0x8c: {  	s17 =	sshll.u32 s0, $0xA;
	s2 =	sadd.s32 s3, s2  }
0x8d: {  	s2 =	sadd.s32 s2, s17  }
0x8e: {  	[smem:$0x3FC2] =	sst s2  }
0x8f: {  	_ = 	snop  }
0x90: {  	s2 =	sld [smem:$0x3FD0];
	(tm) =	ssettm $0x1  }
0x91: {  	s18 =	sld [smem:$0x3FFB];
	_ =	sdelay $0x3  }
0x92: {  	_ =	strace s18  }
0x93: {  	s3 =	sld [smem:$0x3FFC];
	_ =	sdelay $0x3  }
0x94: {  	_ =	strace s3  }
0x95: {  	s3 =	sld [smem:$0x3FFD];
	_ =	sdelay $0x3  }
0x96: {  	_ =	strace s3  }
0x97: {  	_ =	strace $0x8FFFFFFF  }
0x98: {  	s19 =	sld [smem:$0x3FDB];
	_ =	sdelay $0x1  }
0x99: {  	s4 =	simm.s32 $_scs_section_size  }
0x9a: {  	s5 =	simm.s32 $_size__tile_overlayer_lowered;
	s6 =	simm.s32 $_tile_overlayer_lowered  }
0x9b: {  	s22 =	simm.s32 $0x1BFF;
	s21 =	sshll.u32 s6, $0x1;
	s3 =	sadd.s32 s4, s19  }
0x9c: {  	s7 =	simm.s32 $0x0;
	s20 =	sshll.u32 s5, $0x1;
	s5 =	sadd.s32 s21, s3  }
0x9d: {  	[timem:s7], [sflag:s22] =	dma.local [hbm:s5], s20  }
0x9e: {  	_ =	swait.ge [sflag:s22], s20  }
0x9f: {  	s4 =	ssub.s32 $0x0, s20;
	[sflag:s22] =	ssyncset.done $0x0  }
0xa0: {  	[sflag:s22] =	ssyncadd.s32 s4;
	_ =	sdelay $0x1  }
0xa1: {  	s23 =	simm.s32 $0x1B8B  }
0xa2: {  	_ =	swait.ge [sflag:s23], $0x1  }
0xa3: {  	[sflag:s23] =	ssyncset.done $0x0  }
0xa4: {  	s25 =	simm.s32 $0x1B8E;
	s24 =	sld [smem:$0x3FFE];
	[sflag:s23] =	ssyncadd.s32 $0xFFFFFFFF  }
0xa5: {  	s26 =	simm.s32 $execute0_lowered;
	[smem:$0x3FD2] =	sst s25  }
0xa6: {  	s5 =	sshll.u32 s26, $0x1;
	_ =	strace $0x8000004C;
	[dreg:$0x1] =	wrdreg $0xFFFFFFFF  }
0xa7: {  	s28 =	simm.s32 $_size_execute0_lowered;
	s3 =	sadd.s32 s3, s5;
	[dreg:$0x0] =	wrdreg $0x0  }
0xa8: {  	s5 =	sshll.u32 s28, $0x1;
	[dreg:$0x2] =	wrdreg s3  }
0xa9: {  	[dreg:$0x3] =	wrdreg s5  }
0xaa: {  	[dreg:$0x4] =	wrdreg $0xC0  }
0xab: {  	_ =	task [dreg:s7], $0x5FFFF  }
0xac: {  	[dreg:$0x1] =	wrdreg $0xFFFFFFFF  }
0xad: {  	[dreg:$0x0] =	wrdreg $0x60  }
0xae: {  	[dreg:$0x2] =	wrdreg s2  }
0xaf: {  	[dreg:$0x3] =	wrdreg s24  }
0xb0: {  	[dreg:$0x4] =	wrdreg $0xA8000  }
0xb1: {  	[dreg:$0x5] =	wrdreg $0x9  }
0xb2: {  	_ =	task.clear_ibuf [dreg:s7], $0x6FFFF;
	_ =	strace $0x9000004C  }
0xb3: {  	s29 =	simm.s32 $0x9;
	_ =	strace $0x8000004E  }
0xb4: {  	_ =	swait.ge [sflag:s29], $0x1  }
0xb5: {  	[sflag:s29] =	ssyncadd.s32 $0xFFFFFFFF  }
0xb6: {  	_ =	strace $0x9000004E  }
0xb7: {  	_ =	sfence  }
0xb8: {  	s30 =	sld [smem:$0x0];
	_ =	sdelay $0x2  }
0xb9: {  	s31 =	sshll.u32 s1, $0xD;
	s1 =	sshrl.u32 s1, $0x2  }
0xba: {  	s3 =	sand.u32 $0x4000, s31;
	s1 =	sadd.s32 s1, s30  }
0xbb: {  	s0 =	sor.u32 s3, s0;
	s1 =	sshll.u32 s1, $0x11  }
0xbc: {  	s0 =	sor.u32 s1, s0  }
0xbd: {  	s0 =	sadd.s32 $0x8F2B, s0  }
0xbe: {  	[sflag:s0] =	ssyncadd.remote.s32 $0x1  }
0xbf: {  	_ =	sfence.sel $0xFFFF  }
0xc0: {  	[dreg:$0x0] =	wrdreg $0xFFFFFFFF;
	(pc) =	sbr.abs _section_cstart, $3  }
0xc1: {  	[dreg:$0x1] =	wrdreg $0xFFFFFFFF  }
0xc2: {  	_ =	task.clear_ibuf [dreg:s7], $0x2FFFF;
	_ =	strace $0x9FFFFFFF  }
0xc3: {  	(tm) =	ssettm $0x7FFFFFFF  }
tec
execute0_lowered:
.L_overlay_start_1:
0x0: {  	(tag) =	ssettag $0x1  }
0x1: {  	s1 =	rddreg [dreg:$0x0]  }
0x2: {  	s0 =	srdreg.scid;
	s7 =	rddreg [dreg:$0x1]  }
0x3: {  	s3 =	rddreg [dreg:$0x2];
	s4 =	simm.s32 $0x0;
	s6 =	sand.u32 $0x1, s0  }
0x4: {  	s18 =	simm.s32 $0x2800;
	s0 =	stileid.u32;
	s5 =	smul.u32 $0x28000, s6  }
0x5: {  	s19 =	simm.s32 $0x1;
	s20 =	simm.s32 $0x6800;
	s8 =	smul.u32 $0x2800, s0  }
0x6: {  	s21 =	simm.s32 $0x2;
	s28 =	simm.s32 $0x4;
	s10 =	smul.u32 $0x4F000, s0  }
0x7: {  	s29 =	simm.s32 $0x0;
	[smem:$0x7FF] =	sst s4;
	s26 =	smul.u32 $0x138800, s6  }
0x8: {  	s13 =	sadd.s32 $0x13200, s7;
	_ =	strace $0x8000004D;
	s16 =	smul.u32 $0x13800, s0  }
0x9: {  	s23 =	ssub.s32 $0x2, s6;
	s25 =	sshll.u32 s0, $0x6;
	s17 =	smul.u32 $0x4E000, s0  }
0xa: {  	p0 =	sne.s32 s0, $0xF;
	s12 =	sshrl.u32 s23, $0x1;
	s6 =	sor.u32 $0x1C05, s25  }
0xb: {  	s25 =	sadd.s32 $0x138000, s3;
	s5 =	sadd.s32 s8, s5;
	s22 =	sshrl.u32 s8, $0x3  }
0xc: {  	s14 =	ssub.s32 s23, s12;
	s24 =	sshrl.u32 s10, $0x2;
	s30 =	sadd.s32 s16, s26  }
0xd: {  	s12 =	sshrl.u32 s26, $0x3;
	s31 =	sshrl.u32 s17, $0x2;
	s16 =	simm.s32 $0x1400  }
0xe: {  	s17 =	simm.s32 $0x80;
	s23 =	simm.s32 $0x3;
	s25 =	sshrl.u32 @!p0 s25, $0x3  }
0xf: {  	s26 =	simm.s32 $0x100;
	s5 =	sshrl.u32 s5, $0x3;
	s11 =	sadd.s32 s22, s7  }
0x10: {  	s15 =	sadd.s32 s24, s3;
	s12 =	sadd.s32 s13, s12;
	s24 =	sadd.s32 s31, s3  }
.Ltmp0:
0x11: {  	s22 =	simm.s32 $0x1480;
	s9 =	sadd.s32 s5, s7;
	(pc) =	sbr.rel .LBB2_1-.Ltmp0, $4  }
0x12: {  	s5 =	sadd.s32 $0x10A00, s7;
	s8 =	sadd.s32 $0x1A00, s11;
	s10 =	sadd.s32 $0x1C80, s11  }
0x13: {  	s11 =	sshrl.u32 s30, $0x3;
	s12 =	sadd.s32 $0x27000, s12;
	s24 =	sshrl.u32 s24, $0x3  }
0x14: {  	s7 =	sadd.s32 $0x6A00, s9;
	s9 =	sadd.s32 $0x6C80, s9;
	s11 =	sadd.s32 s13, s11  }
0x15: {  	s13 =	smax.u32 s14, $0x1;
	s14 =	sshrl.u32 s15, $0x3;
	s15 =	simm.s32 $0x5  }
.LBB2_7:
0x16: {  	_ =	swait.ge [sflag:s28], $0x4000  }
0x17: {  	[sflag:s28] =	ssyncset.done $0x0  }
0x18: {  	[sflag:s28] =	ssyncadd.s32 $0xFFFFC000  }
0x19: {  	[bflag:$0x0] =	sbarrier.arrive $0xFFFF  }
0x1a: {  	[hbm:s11], [sflag:s6] =	dma.local [spmem:s24], $0x2700  }
0x1b: {  	s29 =	sadd.s32 $0x1, s29;
	_ =	swait.ge [sflag:s15], $0x2700  }
0x1c: {  	p1 =	sne.s32 s29, s13;
	[sflag:s15] =	ssyncset.done $0x0  }
.Ltmp1:
0x1d: {  	s2 =	simm.s32 @!p0 $0x5;
	[sflag:s15] =	ssyncadd.s32 $0xFFFFD900;
	(pc) =	sbr.rel @!p1 .LBB2_8-.Ltmp1, $4  }
0x1e: {  	[hbm:s12], [sflag:s6] =	dma.local @!p0 [spmem:s25], $0x100  }
0x1f: {  	_ =	swait.ge @!p0 [sflag:s2], $0x100  }
0x20: {  	[sflag:s2] =	ssyncset.done @!p0 $0x0  }
0x21: {  	[sflag:s2] =	ssyncadd.s32 @!p0 $0xFFFFFF00  }
.LBB2_1:
0x22: {  	[spmem:s14], [sflag:s6] =	dma.local [hbm:s5], $0x2780  }
0x23: {  	_ =	swait.ge [sflag:s15], $0x2780  }
0x24: {  	[sflag:s15] =	ssyncset.done $0x0  }
0x25: {  	[sflag:s15] =	ssyncadd.s32 $0xFFFFD880  }
0x26: {  	[bflag:$0x0] =	sbarrier.arrive $0xFFFF  }
0x27: {  	[tilespmem:s4], [sflag:$0x5] =	stream.linear.gather [hbm4b:s7+s4], $0x1400, $0x38;
	[tilespmem:$0x1E400] =	vst v63  }
0x28: {  	_ =	swait.ge [sflag:s15], $0x1400  }
0x29: {  	[sflag:s15] =	ssyncset.done $0x0  }
0x2a: {  	[sflag:s15] =	ssyncadd.s32 $0xFFFFEC00  }
0x2b: {  	[tilespmem:s16], [sflag:$0x5] =	stream.linear.gather [hbm4b:s8+s4], $0x1400, $0x38;
	[tilespmem:$0x1E400] =	vst v63  }
0x2c: {  	_ =	swait.ge [sflag:s15], $0x1400  }
0x2d: {  	[sflag:s15] =	ssyncset.done $0x0  }
0x2e: {  	[sflag:s15] =	ssyncadd.s32 $0xFFFFEC00  }
0x2f: {  	[tilespmem:s18], [sflag:$0x1] =	stream.indirect.gather [hbm4b:s1+s17], $0x80, s4, s17, $0xb8;
	[tilespmem:$0x1E400] =	vst v63  }
0x30: {  	_ =	swait.ge [sflag:s19], $0x4000  }
0x31: {  	[sflag:s19] =	ssyncset.done $0x0  }
0x32: {  	[sflag:s19] =	ssyncadd.s32 $0xFFFFC000  }
0x33: {  	[spmem:s3] =	stream.indirect.scatter.add.f32 [tilespmem:s18], [sflag:$0x3], $0x80, s16, s17, $0xb8;
	[tilespmem:$0x1E400] =	vst v63  }
0x34: {  	_ = 	snop  }
0x35: {  	[tilespmem:s20], [sflag:$0x2] =	stream.indirect.gather [hbm4b:s1+s17], $0x80, s17, s17, $0xb8;
	[tilespmem:$0x1E400] =	vst v63  }
0x36: {  	_ =	swait.ge [sflag:s21], $0x4000  }
0x37: {  	[sflag:s21] =	ssyncset.done $0x0  }
0x38: {  	[sflag:s21] =	ssyncadd.s32 $0xFFFFC000  }
0x39: {  	[spmem:s3] =	stream.indirect.scatter.add.f32 [tilespmem:s20], [sflag:$0x4], $0x80, s22, s17, $0xb8;
	[tilespmem:$0x1E400] =	vst v63  }
0x3a: {  	_ =	swait.ge [sflag:s23], $0x4000  }
0x3b: {  	[sflag:s23] =	ssyncset.done $0x0  }
0x3c: {  	s30 =	simm.s32 $0xFFFFB800;
	[sflag:s23] =	ssyncadd.s32 $0xFFFFC000  }
0x3d: {  	[tilespmem:s18], [sflag:$0x1] =	stream.indirect.gather [hbm4b:s1+s17], $0x80, s26, s17, $0xb8;
	[tilespmem:$0x1E400] =	vst v63  }
.LBB2_2:
0x3e: {  	_ =	swait.ge [sflag:s19], $0x4000  }
0x3f: {  	s31 =	sshra.s32 s30, $0x2;
	[sflag:s19] =	ssyncset.done $0x0  }
0x40: {  	s2 =	sadd.s32 $0x2700, s31;
	[sflag:s19] =	ssyncadd.s32 $0xFFFFC000  }
0x41: {  	[spmem:s3] =	stream.indirect.scatter.add.f32 [tilespmem:s18], [sflag:$0x3], $0x80, s2, s17, $0xb8;
	[tilespmem:$0x1E400] =	vst v63  }
0x42: {  	_ =	swait.ge [sflag:s28], $0x4000  }
0x43: {  	[sflag:s28] =	ssyncset.done $0x0  }
0x44: {  	s2 =	sadd.s32 $0x1380, s31;
	[sflag:s28] =	ssyncadd.s32 $0xFFFFC000  }
0x45: {  	[tilespmem:s20], [sflag:$0x2] =	stream.indirect.gather [hbm4b:s1+s17], $0x80, s2, s17, $0xb8;
	[tilespmem:$0x1E400] =	vst v63  }
0x46: {  	_ =	swait.ge [sflag:s21], $0x4000  }
0x47: {  	p1 =	seq.s32 s30, $0x0;
	[sflag:s21] =	ssyncset.done $0x0  }
.Ltmp2:
0x48: {  	s2 =	sadd.s32 $0x2780, s31;
	[sflag:s21] =	ssyncadd.s32 $0xFFFFC000;
	(pc) =	sbr.rel @p1 .LBB2_4-.Ltmp2, $4  }
0x49: {  	[spmem:s3] =	stream.indirect.scatter.add.f32 [tilespmem:s20], [sflag:$0x4], $0x80, s2, s17, $0xb8;
	[tilespmem:$0x1E400] =	vst v63  }
0x4a: {  	_ =	swait.ge [sflag:s23], $0x4000  }
0x4b: {  	[sflag:s23] =	ssyncset.done $0x0  }
0x4c: {  	[sflag:s23] =	ssyncadd.s32 $0xFFFFC000  }
.Ltmp3:
0x4d: {  	(pc) =	sbr.rel .LBB2_2-.Ltmp3, $3  }
0x4e: {  	_ =	sdelay $0x1  }
0x4f: {  	s2 =	sadd.s32 $0x1400, s31;
	s30 =	sadd.s32 $0x400, s30  }
0x50: {  	[tilespmem:s18], [sflag:$0x1] =	stream.indirect.gather [hbm4b:s1+s17], $0x80, s2, s17, $0xb8;
	[tilespmem:$0x1E400] =	vst v63  }
.LBB2_4:
0x51: {  	_ =	swait.ge [sflag:s28], $0x4000  }
0x52: {  	[sflag:s28] =	ssyncset.done $0x0  }
0x53: {  	[sflag:s28] =	ssyncadd.s32 $0xFFFFC000  }
0x54: {  	[tilespmem:s4], [sflag:$0x5] =	stream.linear.gather [hbm4b:s9+s4], $0x1400, $0x38;
	[tilespmem:$0x1E400] =	vst v63  }
0x55: {  	_ =	swait.ge [sflag:s15], $0x1400  }
0x56: {  	[sflag:s15] =	ssyncset.done $0x0  }
0x57: {  	[sflag:s15] =	ssyncadd.s32 $0xFFFFEC00  }
0x58: {  	[tilespmem:s16], [sflag:$0x5] =	stream.linear.gather [hbm4b:s10+s4], $0x1400, $0x38;
	[tilespmem:$0x1E400] =	vst v63  }
0x59: {  	_ =	swait.ge [sflag:s15], $0x1400  }
0x5a: {  	[sflag:s15] =	ssyncset.done $0x0  }
0x5b: {  	[sflag:s15] =	ssyncadd.s32 $0xFFFFEC00  }
0x5c: {  	[tilespmem:s18], [sflag:$0x1] =	stream.indirect.gather [hbm4b:s1+s17], $0x80, s4, s17, $0xb8;
	[tilespmem:$0x1E400] =	vst v63  }
0x5d: {  	_ =	swait.ge [sflag:s19], $0x4000  }
0x5e: {  	[sflag:s19] =	ssyncset.done $0x0  }
0x5f: {  	[sflag:s19] =	ssyncadd.s32 $0xFFFFC000  }
0x60: {  	[spmem:s3] =	stream.indirect.scatter.add.f32 [tilespmem:s18], [sflag:$0x3], $0x80, s16, s17, $0xb8;
	[tilespmem:$0x1E400] =	vst v63  }
0x61: {  	_ = 	snop  }
0x62: {  	[tilespmem:s20], [sflag:$0x2] =	stream.indirect.gather [hbm4b:s1+s17], $0x80, s17, s17, $0xb8;
	[tilespmem:$0x1E400] =	vst v63  }
0x63: {  	_ =	swait.ge [sflag:s21], $0x4000  }
0x64: {  	[sflag:s21] =	ssyncset.done $0x0  }
0x65: {  	[sflag:s21] =	ssyncadd.s32 $0xFFFFC000  }
0x66: {  	[spmem:s3] =	stream.indirect.scatter.add.f32 [tilespmem:s20], [sflag:$0x4], $0x80, s22, s17, $0xb8;
	[tilespmem:$0x1E400] =	vst v63  }
0x67: {  	_ =	swait.ge [sflag:s23], $0x4000  }
0x68: {  	[sflag:s23] =	ssyncset.done $0x0  }
0x69: {  	s30 =	simm.s32 $0xFFFFB800;
	[sflag:s23] =	ssyncadd.s32 $0xFFFFC000  }
0x6a: {  	[tilespmem:s18], [sflag:$0x1] =	stream.indirect.gather [hbm4b:s1+s17], $0x80, s26, s17, $0xb8;
	[tilespmem:$0x1E400] =	vst v63  }
.LBB2_5:
0x6b: {  	_ =	swait.ge [sflag:s19], $0x4000  }
0x6c: {  	s31 =	sshra.s32 s30, $0x2;
	[sflag:s19] =	ssyncset.done $0x0  }
0x6d: {  	s2 =	sadd.s32 $0x2700, s31;
	[sflag:s19] =	ssyncadd.s32 $0xFFFFC000  }
0x6e: {  	[spmem:s3] =	stream.indirect.scatter.add.f32 [tilespmem:s18], [sflag:$0x3], $0x80, s2, s17, $0xb8;
	[tilespmem:$0x1E400] =	vst v63  }
0x6f: {  	_ =	swait.ge [sflag:s28], $0x4000  }
0x70: {  	[sflag:s28] =	ssyncset.done $0x0  }
0x71: {  	s2 =	sadd.s32 $0x1380, s31;
	[sflag:s28] =	ssyncadd.s32 $0xFFFFC000  }
0x72: {  	[tilespmem:s20], [sflag:$0x2] =	stream.indirect.gather [hbm4b:s1+s17], $0x80, s2, s17, $0xb8;
	[tilespmem:$0x1E400] =	vst v63  }
0x73: {  	_ =	swait.ge [sflag:s21], $0x4000  }
0x74: {  	p1 =	seq.s32 s30, $0x0;
	[sflag:s21] =	ssyncset.done $0x0  }
.Ltmp4:
0x75: {  	s2 =	sadd.s32 $0x2780, s31;
	[sflag:s21] =	ssyncadd.s32 $0xFFFFC000;
	(pc) =	sbr.rel @p1 .LBB2_7-.Ltmp4, $4  }
0x76: {  	[spmem:s3] =	stream.indirect.scatter.add.f32 [tilespmem:s20], [sflag:$0x4], $0x80, s2, s17, $0xb8;
	[tilespmem:$0x1E400] =	vst v63  }
0x77: {  	_ =	swait.ge [sflag:s23], $0x4000  }
0x78: {  	[sflag:s23] =	ssyncset.done $0x0  }
0x79: {  	[sflag:s23] =	ssyncadd.s32 $0xFFFFC000  }
.Ltmp5:
0x7a: {  	(pc) =	sbr.rel .LBB2_5-.Ltmp5, $3  }
0x7b: {  	_ =	sdelay $0x1  }
0x7c: {  	s2 =	sadd.s32 $0x1400, s31;
	s30 =	sadd.s32 $0x400, s30  }
0x7d: {  	[tilespmem:s18], [sflag:$0x1] =	stream.indirect.gather [hbm4b:s1+s17], $0x80, s2, s17, $0xb8;
	[tilespmem:$0x1E400] =	vst v63  }
.LBB2_8:
0x7e: {  	_ =	sfence.sel $0x180000  }
0x7f: {  	[bflag:$0x0] =	sbarrier.arrive $0xFFFF  }
0x80: {  	_ =	strace $0x9000004D  }
0x81: {  	[bflag:$0x2] =	sbarrier.arrive $0xFFFF  }
0x82: {  	p0 =	sne.s32 s0, $0x0;
	s0 =	rddreg [dreg:$0x3]  }
0x83: {  	s0 =	sadd.s32 @!p0 $0x100000, s0  }
0x84: {  	[sflag:s0] =	ssyncadd.tile.s32 @!p0 $0x1;
	_ =	shalt  }
.Lfunc_end2:
_tile_overlayer_lowered:
.L_overlay_start_2:
0x85: {  	(tag) =	ssettag $0x2  }
0x86: {  	s0 =	rddreg [dreg:$0x0];
	s2 =	stileid.u32  }
0x87: {  	s1 =	rddreg [dreg:$0x1];
	p0 =	sne.s32 s2, $0x0  }
0x88: {  	s3 =	rddreg [dreg:$0x2];
	[bflag:$0x3] =	sbarrier.arrive $0xFFFF;
	s2 =	simm.s32 @!p0 $0x1C05  }
0x89: {  	[timem:s3], [sflag:s2] =	dma.local @!p0 [hbm:s0], s1  }
0x8a: {  	s0 =	simm.s32 @!p0 $0x5  }
0x8b: {  	_ =	swait.ge @!p0 [sflag:s0], s1  }
0x8c: {  	s1 =	ssub.s32 @!p0 $0x0, s1;
	[sflag:s0] =	ssyncset.done @!p0 $0x0  }
0x8d: {  	[sflag:s0] =	ssyncadd.s32 @!p0 s1  }
0x8e: {  	[bflag:$0x3] =	sbarrier.arrive $0xFFFF  }
0x8f: {  	_ =	shalt  }

// kernel: kernel.8.cloned.1.call-start
scs
__scs_entry_jumppad:
0x0: {  	(pc) =	sbr.rel $0x88, $3  }
0x1: {  	(tag) =	ssettag $0x0;
	lr =	simm.s32 $0x1  }
0x2: {  	[smem:$0x3F9B] =	sst lr;
	_ =	strace $0xD0000000  }
0x3: {  	_ = 	snop  }
0x4: {  	_ = 	snop  }
0x5: {  	_ = 	snop  }
0x6: {  	_ = 	snop  }
0x7: {  	_ = 	snop  }
__scs_overlays_trampoline_lowered:
0x8: {  	[smem:$0x3FAA] =	sst s0  }
0x9: {  	[smem:$0x3FAB] =	sst s1  }
0xa: {  	[smem:$0x3FAC] =	sst s2  }
0xb: {  	[smem:$0x3FAD] =	sst s3  }
0xc: {  	[smem:$0x3FAE] =	sst s4  }
0xd: {  	[smem:$0x3FAF] =	sst s5  }
0xe: {  	[smem:$0x3FB0] =	sst s6  }
0xf: {  	[smem:$0x3FB1] =	sst s7  }
0x10: {  	[smem:$0x3FB2] =	sst s8  }
0x11: {  	[smem:$0x3FB3] =	sst s9;
	s0 =	simm.s32 @!p0 $0x0  }
0x12: {  	s1 =	sld [smem:$0x3F99];
	s0 =	simm.s32 @p0 $0x1  }
0x13: {  	[smem:$0x3FB4] =	sst s0;
	s0 =	simm.s32 @!p1 $0x0  }
0x14: {  	s2 =	sld [smem:$0x3F98];
	s0 =	simm.s32 @p1 $0x1  }
0x15: {  	[smem:$0x3FB5] =	sst s0;
	s0 =	simm.s32 @!p2 $0x0  }
0x16: {  	s3 =	sld [smem:$0x3FDB];
	s0 =	simm.s32 @p2 $0x1  }
0x17: {  	s4 =	simm.s32 $0x1BF5;
	[smem:$0x3FB7] =	sst s0  }
0x18: {  	s0 =	sld [smem:$0x3F9A];
	_ =	swait.ge [sflag:s4], $0x0  }
0x19: {  	s7 =	sld [smem:$0x3F9B]  }
0x1a: {  	s8 =	sadd.s32 $0xFFFFE003, lr  }
0x1b: {  	s9 =	sadd.s32 $0xFFFFFEF7, lr;
	s5 =	simm.s32 $0xFFFFFFFF;
	p2 =	slt.u32 s8, $0xFFFFF086  }
0x1c: {  	p1 =	slt.u32 s9, $0xF7A;
	s5 =	simm.s32 @!p2 $0x0  }
0x1d: {  	s5 =	simm.s32 @p1 $0x1;
	p0 =	seq.s32 s7, s2  }
0x1e: {  	s7 =	smul.u32 @!p0 $0xF7A, s2;
	p2 =	seq.s32 @!p0 s5, $0x0  }
0x1f: {  	s9 =	smul.u32 $0xF7A, s1;
	s8 =	simm.s32 @!p0 $0x1BF5;
	p2 =	por !p2, p0  }
0x20: {  	[sflag:s8] =	ssyncset.s32 @!p0 $0xFFFFF086;
	s6 =	sadd.s32 @!p0 s3, s7;
	s7 =	simm.s32 @!p0 $0x108  }
0x21: {  	s3 =	sadd.s32 s3, s9;
	s6 =	sadd.s32 @!p0 $0x88, s6;
	s7 =	simm.s32 @p2 $0x1082  }
0x22: {  	[simem:s7], [sflag:s8] =	dma.local @!p0 [hbm:s6], $0xF7A  }
0x23: {  	s9 =	sor.u32 $0xD0000000, s2;
	s6 =	simm.s32 $0x108;
	_ =	swait.ge @!p0 [sflag:s8], $0x0  }
0x24: {  	s3 =	sadd.s32 $0x88, s3;
	s6 =	simm.s32 @!p1 $0x1082;
	[sflag:s4] =	ssyncset.s32 $0xFFFFF086  }
0x25: {  	[simem:s6], [sflag:s4] =	dma.local [hbm:s3], $0xF7A  }
0x26: {  	[smem:$0x3F9B] =	sst s1;
	(tag) =	ssettag s2;
	_ =	strace s9  }
0x27: {  	s1 =	sld [smem:$0x3FAB]  }
0x28: {  	s2 =	sld [smem:$0x3FAC]  }
0x29: {  	s4 =	sld [smem:$0x3FAE]  }
0x2a: {  	p0 =	seq.s32 s5, $0x0;
	s5 =	sld [smem:$0x3FAF]  }
0x2b: {  	s6 =	sld [smem:$0x3FB0]  }
0x2c: {  	s7 =	sld [smem:$0x3FB1]  }
0x2d: {  	s3 =	simm.s32 $0x108;
	s8 =	sld [smem:$0x3FB2]  }
0x2e: {  	s3 =	simm.s32 @!p0 $0x1082;
	s9 =	sld [smem:$0x3FB3]  }
0x2f: {  	lr =	sadd.s32 s0, s3;
	s0 =	sld [smem:$0x3FAA]  }
0x30: {  	s3 =	sld [smem:$0x3FAD]  }
0x31: {  	[smem:$0x3FB6] =	sst s10  }
0x32: {  	s10 =	sld [smem:$0x3FB4];
	_ =	sdelay $0x3  }
0x33: {  	p0 =	seq.s32 s10, $0x1;
	s10 =	sld [smem:$0x3FB6];
	_ =	sdelay $0x3  }
0x34: {  	[smem:$0x3FB6] =	sst s10  }
0x35: {  	s10 =	sld [smem:$0x3FB5];
	_ =	sdelay $0x3  }
0x36: {  	p1 =	seq.s32 s10, $0x1;
	s10 =	sld [smem:$0x3FB6];
	_ =	sdelay $0x3  }
0x37: {  	[smem:$0x3FB6] =	sst s10  }
0x38: {  	s10 =	sld [smem:$0x3FB7]  }
0x39: {  	_ = 	snop;
	(pc) =	sbr.ind lr, $3  }
0x3a: {  	_ = 	snop  }
0x3b: {  	_ = 	snop  }
0x3c: {  	p2 =	seq.s32 s10, $0x1;
	s10 =	sld [smem:$0x3FB6]  }
0x3d: {  	_ =	shalt  }
0x3e: {  	_ =	shalt  }
0x3f: {  	_ =	shalt  }
0x40: {  	_ =	shalt  }
0x41: {  	_ =	shalt  }
0x42: {  	_ =	shalt  }
0x43: {  	_ =	shalt  }
0x44: {  	_ =	shalt  }
0x45: {  	_ =	shalt  }
0x46: {  	_ =	shalt  }
0x47: {  	_ =	shalt  }
0x48: {  	_ =	shalt  }
0x49: {  	_ =	shalt  }
0x4a: {  	_ =	shalt  }
0x4b: {  	_ =	shalt  }
0x4c: {  	_ =	shalt  }
0x4d: {  	_ =	shalt  }
0x4e: {  	_ =	shalt  }
0x4f: {  	_ =	shalt  }
0x50: {  	_ =	shalt  }
0x51: {  	_ =	shalt  }
0x52: {  	_ =	shalt  }
0x53: {  	_ =	shalt  }
0x54: {  	_ =	shalt  }
0x55: {  	_ =	shalt  }
0x56: {  	_ =	shalt  }
0x57: {  	_ =	shalt  }
0x58: {  	_ =	shalt  }
0x59: {  	_ =	shalt  }
0x5a: {  	_ =	shalt  }
0x5b: {  	_ =	shalt  }
0x5c: {  	_ =	shalt  }
0x5d: {  	_ =	shalt  }
0x5e: {  	_ =	shalt  }
0x5f: {  	_ =	shalt  }
0x60: {  	_ =	shalt  }
0x61: {  	_ =	shalt  }
0x62: {  	_ =	shalt  }
0x63: {  	_ =	shalt  }
0x64: {  	_ =	shalt  }
0x65: {  	_ =	shalt  }
0x66: {  	_ =	shalt  }
0x67: {  	_ =	shalt  }
0x68: {  	_ =	shalt  }
0x69: {  	_ =	shalt  }
0x6a: {  	_ =	shalt  }
0x6b: {  	_ =	shalt  }
0x6c: {  	_ =	shalt  }
0x6d: {  	_ =	shalt  }
0x6e: {  	_ =	shalt  }
0x6f: {  	_ =	shalt  }
0x70: {  	_ =	shalt  }
0x71: {  	_ =	shalt  }
0x72: {  	_ =	shalt  }
0x73: {  	_ =	shalt  }
0x74: {  	_ =	shalt  }
0x75: {  	_ =	shalt  }
0x76: {  	_ =	shalt  }
0x77: {  	_ =	shalt  }
0x78: {  	_ =	shalt  }
0x79: {  	_ =	shalt  }
0x7a: {  	_ =	shalt  }
0x7b: {  	_ =	shalt  }
0x7c: {  	_ =	shalt  }
0x7d: {  	_ =	shalt  }
0x7e: {  	_ =	shalt  }
0x7f: {  	_ =	shalt  }
0x80: {  	_ =	shalt  }
0x81: {  	_ =	shalt  }
0x82: {  	_ =	shalt  }
0x83: {  	_ =	shalt  }
0x84: {  	_ =	shalt  }
0x85: {  	_ =	shalt  }
0x86: {  	_ =	shalt  }
0x87: {  	_ =	shalt  }
.Lfunc_end0:
.L_simem_size_0:
called_computation_lowered:
.L_overlay_start_0:
0x88: {  	s2 =	sld [smem:$0x3FD9]  }
0x89: {  	s3 =	sld [smem:$0x3FFE];
	_ =	sdelay $0x1  }
0x8a: {  	s1 =	srdreg.scid  }
0x8b: {  	s0 =	sand.u32 $0x1, s1  }
0x8c: {  	s17 =	sshll.u32 s0, $0xA;
	s2 =	sadd.s32 s3, s2  }
0x8d: {  	s2 =	sadd.s32 s2, s17  }
0x8e: {  	[smem:$0x3FC2] =	sst s2  }
0x8f: {  	_ = 	snop  }
0x90: {  	(tm) =	ssettm $0x1  }
0x91: {  	s18 =	sld [smem:$0x3FFB];
	_ =	sdelay $0x3  }
0x92: {  	_ =	strace s18  }
0x93: {  	s2 =	sld [smem:$0x3FFC];
	_ =	sdelay $0x3  }
0x94: {  	_ =	strace s2  }
0x95: {  	s2 =	sld [smem:$0x3FFD];
	_ =	sdelay $0x3  }
0x96: {  	_ =	strace s2  }
0x97: {  	_ =	strace $0x8FFFFFFF  }
0x98: {  	s19 =	sld [smem:$0x3FDB];
	_ =	sdelay $0x1  }
0x99: {  	s20 =	simm.s32 $_scs_section_size  }
0x9a: {  	s4 =	simm.s32 $_size__tile_overlayer_lowered;
	s5 =	simm.s32 $_tile_overlayer_lowered  }
0x9b: {  	s6 =	simm.s32 $0x1BFF;
	s21 =	sshll.u32 s5, $0x1;
	s3 =	sadd.s32 s20, s19  }
0x9c: {  	s22 =	simm.s32 $0x0;
	s4 =	sshll.u32 s4, $0x1;
	s5 =	sadd.s32 s21, s3  }
0x9d: {  	[timem:s22], [sflag:s6] =	dma.local [hbm:s5], s4  }
0x9e: {  	_ =	swait.ge [sflag:s6], s4  }
0x9f: {  	s4 =	ssub.s32 $0x0, s4;
	[sflag:s6] =	ssyncset.done $0x0  }
0xa0: {  	[sflag:s6] =	ssyncadd.s32 s4;
	_ =	sdelay $0x1  }
0xa1: {  	s23 =	simm.s32 $0x1B8B  }
0xa2: {  	_ =	swait.ge [sflag:s23], $0x1  }
0xa3: {  	[sflag:s23] =	ssyncset.done $0x0  }
0xa4: {  	[sflag:s23] =	ssyncadd.s32 $0xFFFFFFFF  }
0xa5: {  	s4 =	sld [smem:$0x0]  }
0xa6: {  	s5 =	sand.u32 $0xFFFFFFFE, s1  }
0xa7: {  	p0 =	sne.s32 s1, s5  }
0xa8: {  	s5 =	sshll.u32 @p0 s5, $0xE  }
0xa9: {  	s5 =	sadd.s32 @p0 $0x11B8D, s5;
	s6 =	sshll.u32 @p0 s4, $0x11  }
0xaa: {  	s5 =	sor.u32 @p0 s6, s5  }
0xab: {  	[sflag:s5] =	ssyncadd.remote.s32 @p0 $0x1;
	_ =	sdelay $0x1  }
0xac: {  	s5 =	simm.s32 @p0 $0x1B8D  }
0xad: {  	_ =	swait.eq @p0 [sflag:s5], $0x1  }
0xae: {  	[sflag:s5] =	ssyncadd.s32 @p0 $0xFFFFFFFF  }
0xaf: {  	s6 =	sshll.u32 @!p0 s1, $0xE  }
0xb0: {  	s6 =	sor.u32 @!p0 $0x4000, s6;
	s5 =	simm.s32 @!p0 $0x1B8D  }
0xb1: {  	s4 =	sshll.u32 @!p0 s4, $0x11;
	s6 =	sadd.s32 @!p0 $0x11B8D, s6;
	_ =	swait.eq @!p0 [sflag:s5], $0x1  }
0xb2: {  	s4 =	sor.u32 @!p0 s4, s6;
	[sflag:s5] =	ssyncadd.s32 @!p0 $0xFFFFFFFF  }
0xb3: {  	s25 =	simm.s32 $0x1B8E;
	s24 =	sld [smem:$0x3FFE];
	[sflag:s4] =	ssyncadd.remote.s32 @!p0 $0x1  }
0xb4: {  	s26 =	simm.s32 $execute0_lowered;
	[smem:$0x3FD2] =	sst s25  }
0xb5: {  	s5 =	sshll.u32 s26, $0x1;
	_ =	strace $0x80000049;
	[dreg:$0x1] =	wrdreg $0xFFFFFFFF  }
0xb6: {  	s28 =	simm.s32 $_size_execute0_lowered;
	s3 =	sadd.s32 s3, s5;
	[dreg:$0x0] =	wrdreg $0x0  }
0xb7: {  	s5 =	sshll.u32 s28, $0x1;
	[dreg:$0x2] =	wrdreg s3  }
0xb8: {  	[dreg:$0x3] =	wrdreg s5  }
0xb9: {  	[dreg:$0x4] =	wrdreg $0xC0  }
0xba: {  	_ =	task [dreg:s22], $0x5FFFF  }
0xbb: {  	[dreg:$0x1] =	wrdreg $0xFFFFFFFF  }
0xbc: {  	[dreg:$0x0] =	wrdreg $0x60  }
0xbd: {  	[dreg:$0x2] =	wrdreg s24  }
0xbe: {  	[dreg:$0x3] =	wrdreg $0x68000  }
0xbf: {  	[dreg:$0x4] =	wrdreg $0x9  }
0xc0: {  	_ =	task.clear_ibuf [dreg:s22], $0x5FFFF;
	_ =	strace $0x90000049  }
0xc1: {  	s29 =	simm.s32 $0x9;
	_ =	strace $0x8000004B  }
0xc2: {  	_ =	swait.ge [sflag:s29], $0x1  }
0xc3: {  	[sflag:s29] =	ssyncadd.s32 $0xFFFFFFFF  }
0xc4: {  	_ =	strace $0x9000004B  }
0xc5: {  	_ =	sfence  }
0xc6: {  	s30 =	sld [smem:$0x0];
	_ =	sdelay $0x2  }
0xc7: {  	s31 =	sshll.u32 s1, $0xD;
	s1 =	sshrl.u32 s1, $0x2  }
0xc8: {  	s4 =	sand.u32 $0x4000, s31;
	s1 =	sadd.s32 s1, s30  }
0xc9: {  	s0 =	sor.u32 s4, s0;
	s1 =	sshll.u32 s1, $0x11  }
0xca: {  	s0 =	sor.u32 s1, s0  }
0xcb: {  	s0 =	sadd.s32 $0x8F2B, s0  }
0xcc: {  	[sflag:s0] =	ssyncadd.remote.s32 $0x1  }
0xcd: {  	_ =	sfence.sel $0xFFFF  }
0xce: {  	[dreg:$0x0] =	wrdreg $0xFFFFFFFF;
	(pc) =	sbr.abs _section_cstart, $3  }
0xcf: {  	[dreg:$0x1] =	wrdreg $0xFFFFFFFF  }
0xd0: {  	_ =	task.clear_ibuf [dreg:s22], $0x2FFFF;
	_ =	strace $0x9FFFFFFF  }
0xd1: {  	(tm) =	ssettm $0x7FFFFFFF  }
tec
execute0_lowered:
.L_overlay_start_1:
0x0: {  	(tag) =	ssettag $0x1  }
0x1: {  	s6 =	rddreg [dreg:$0x0]  }
0x2: {  	s2 =	rddreg [dreg:$0x1]  }
0x3: {  	s0 =	rddreg [dreg:$0x2];
	s1 =	stileid.u32  }
0x4: {  	s3 =	simm.s32 $0x0;
	s5 =	srdreg.scid;
	s4 =	smul.u32 $0x500, s1  }
0x5: {  	s15 =	simm.s32 $0x80;
	s18 =	simm.s32 $0x0;
	s11 =	smul.u32 $0x13800, s1  }
0x6: {  	[smem:$0x7FF] =	sst s3;
	s8 =	sand.u32 $0x1, s5;
	s13 =	smul.u32 $0x4F000, s1  }
0x7: {  	s5 =	sadd.s32 $0x61400, s6;
	s12 =	sadd.s32 $0x61C00, s6;
	s28 =	smul.u32 $0x4E000, s1  }
0x8: {  	s17 =	sadd.s32 $0x138000, s2;
	s31 =	sshll.u32 s1, $0x6;
	p0 =	sne.s32 s1, $0xF  }
0x9: {  	_ =	strace $0x8000004A;
	s9 =	smul.u32 $0x138800, s8;
	s10 =	ssub.s32 $0x2, s8  }
0xa: {  	s30 =	smul.u32 $0x5000, s8;
	s17 =	sshrl.u32 @!p0 s17, $0x3;
	s7 =	sadd.s32 s4, s6  }
0xb: {  	s4 =	sadd.s32 $0x10A00, s6;
	s24 =	sshrl.u32 s10, $0x1;
	s26 =	sshrl.u32 s13, $0x2  }
0xc: {  	s29 =	sshrl.u32 s28, $0x2;
	s13 =	sor.u32 $0x1C01, s31;
	s10 =	ssub.s32 s10, s24  }
0xd: {  	s6 =	sadd.s32 $0x1A00, s7;
	s25 =	sadd.s32 s11, s9;
	s14 =	sadd.s32 s26, s2  }
0xe: {  	s9 =	sshrl.u32 s9, $0x3;
	s16 =	sadd.s32 s29, s2;
	s11 =	simm.s32 $0x1  }
0xf: {  	s7 =	sshrl.u32 s25, $0x3;
	s9 =	sadd.s32 s12, s9;
	s14 =	sshrl.u32 s14, $0x3  }
0x10: {  	s16 =	sshrl.u32 s16, $0x3;
	s7 =	sadd.s32 s12, s7;
	s8 =	sadd.s32 $0x27000, s9  }
0x11: {  	s9 =	smax.u32 s10, $0x1;
	s10 =	sshrl.u32 s30, $0x2;
	s12 =	simm.s32 $0x2800  }
.LBB2_1:
0x12: {  	[tilespmem:s3], [sflag:$0x1] =	stream.linear.gather [hbm4b:s6+s3], $0x2800, $0x38;
	[tilespmem:$0x1A400] =	vst v63  }
0x13: {  	_ =	swait.ge [sflag:s11], $0x2800  }
0x14: {  	[sflag:s11] =	ssyncset.done $0x0  }
0x15: {  	[sflag:s11] =	ssyncadd.s32 $0xFFFFD800  }
0x16: {  	[tilespmem:s12], [sflag:$0x1] =	stream.linear.gather [hbm4b:s5+s3], $0x4000, $0x38;
	[tilespmem:$0x1A400] =	vst v63  }
0x17: {  	_ =	swait.ge [sflag:s11], $0x4000  }
0x18: {  	[sflag:s11] =	ssyncset.done $0x0  }
0x19: {  	[sflag:s11] =	ssyncadd.s32 $0xFFFFC000  }
0x1a: {  	[spmem:s14], [sflag:s13] =	dma.local [hbm:s4], $0x2780  }
0x1b: {  	_ =	swait.ge [sflag:s11], $0x2780  }
0x1c: {  	[sflag:s11] =	ssyncset.done $0x0  }
0x1d: {  	[sflag:s11] =	ssyncadd.s32 $0xFFFFD880  }
0x1e: {  	s19 =	sadd.s32 $0x0, s10;
	[bflag:$0x0] =	sbarrier.arrive $0xFFFF  }
0x1f: {  	[spmem:s2] =	stream.indirect.scatter.add.f32 [tilespmem:s12], [sflag:$0x1], $0x80, s19, s15, $0xb8;
	[tilespmem:$0x1A400] =	vst v63  }
0x20: {  	s19 =	simm.s32 $0x200;
	_ =	swait.ge [sflag:s11], $0x4000  }
.LBB2_2:
0x21: {  	s20 =	sshra.s32 s19, $0x2;
	[sflag:s11] =	ssyncset.done $0x0;
	p1 =	sne.s32 s19, $0x4E00  }
.Ltmp0:
0x22: {  	s20 =	sadd.s32 s20, s10;
	[sflag:s11] =	ssyncadd.s32 $0xFFFFC000;
	(pc) =	sbr.rel @p1 .LBB2_2-.Ltmp0, $3  }
0x23: {  	[spmem:s2] =	stream.indirect.scatter.add.f32 [tilespmem:s12], [sflag:$0x1], $0x80, s20, s15, $0xb8;
	[tilespmem:$0x1A400] =	vst v63  }
0x24: {  	s19 =	sadd.s32 $0x200, s19;
	_ =	sdelay $0x1  }
0x25: {  	_ =	swait.ge [sflag:s11], $0x4000  }
0x26: {  	[sflag:s11] =	ssyncset.done $0x0  }
0x27: {  	[sflag:s11] =	ssyncadd.s32 $0xFFFFC000  }
0x28: {  	[bflag:$0x0] =	sbarrier.arrive $0xFFFF  }
0x29: {  	[hbm:s7], [sflag:s13] =	dma.local [spmem:s16], $0x2700  }
0x2a: {  	s18 =	sadd.s32 $0x1, s18;
	_ =	swait.ge [sflag:s11], $0x2700  }
0x2b: {  	p1 =	sne.s32 s18, s9;
	[sflag:s11] =	ssyncset.done $0x0  }
.Ltmp1:
0x2c: {  	s19 =	simm.s32 @!p0 $0x1;
	[sflag:s11] =	ssyncadd.s32 $0xFFFFD900;
	(pc) =	sbr.rel @p1 .LBB2_1-.Ltmp1, $4  }
0x2d: {  	[hbm:s8], [sflag:s13] =	dma.local @!p0 [spmem:s17], $0x100  }
0x2e: {  	_ =	swait.ge @!p0 [sflag:s19], $0x100  }
0x2f: {  	[sflag:s19] =	ssyncset.done @!p0 $0x0  }
0x30: {  	[sflag:s19] =	ssyncadd.s32 @!p0 $0xFFFFFF00  }
0x31: {  	_ =	sfence.sel $0x180000  }
0x32: {  	[bflag:$0x0] =	sbarrier.arrive $0xFFFF  }
0x33: {  	p0 =	sne.s32 s1, $0x0;
	_ =	strace $0x9000004A  }
0x34: {  	s0 =	sadd.s32 @!p0 $0x100000, s0;
	[bflag:$0x2] =	sbarrier.arrive $0xFFFF  }
0x35: {  	[sflag:s0] =	ssyncadd.tile.s32 @!p0 $0x1;
	_ =	shalt  }
.Lfunc_end2:
_tile_overlayer_lowered:
.L_overlay_start_2:
0x36: {  	(tag) =	ssettag $0x2  }
0x37: {  	s0 =	rddreg [dreg:$0x0];
	s2 =	stileid.u32  }
0x38: {  	s1 =	rddreg [dreg:$0x1];
	p0 =	sne.s32 s2, $0x0  }
0x39: {  	s3 =	rddreg [dreg:$0x2];
	[bflag:$0x3] =	sbarrier.arrive $0xFFFF;
	s2 =	simm.s32 @!p0 $0x1C01  }
0x3a: {  	[timem:s3], [sflag:s2] =	dma.local @!p0 [hbm:s0], s1  }
0x3b: {  	s0 =	simm.s32 @!p0 $0x1  }
0x3c: {  	_ =	swait.ge @!p0 [sflag:s0], s1  }
0x3d: {  	s1 =	ssub.s32 @!p0 $0x0, s1;
	[sflag:s0] =	ssyncset.done @!p0 $0x0  }
0x3e: {  	[sflag:s0] =	ssyncadd.s32 @!p0 s1  }
0x3f: {  	[bflag:$0x3] =	sbarrier.arrive $0xFFFF  }
0x40: {  	_ =	shalt  }

</sc_bundles>
